<compile_context>
chip_gen: v7x
topology: tpu7x:2x2x1
jax: 0.10.2.dev20260603
libtpu: 0.0.44.dev20260713+nightly
codegen_flags: <defaults>
</compile_context>

<pallas_src>
import functools

import jax
import jax.numpy as jnp
from jax import lax
from jax.experimental import pallas as pl
from jax.experimental.pallas import tpu as pltpu
from jax.experimental.pallas import tpu_sc as plsc

NC = 2
NS = 16
NW = NC * NS
LANES = 16
CHUNK = 128
HW = 16
NBUF = 4
RBUF = 3


def _fill_2d(ref, rows, width, value):
    vals = jnp.full((LANES,), value, dtype=jnp.float32)

    @pl.loop(0, rows)
    def _(i):
        for j in range(width // LANES):
            ref[i, pl.ds(j * LANES, LANES)] = vals


def _copy_rows(src_ref, dst_ref, dst_base, n_rows, buf_rows):
    full, rem = divmod(n_rows, buf_rows)
    for t in range(full):
        pltpu.sync_copy(
            src_ref,
            dst_ref.at[pl.ds(dst_base + t * buf_rows, buf_rows)])
    if rem:
        pltpu.sync_copy(src_ref.at[pl.ds(0, rem)],
                        dst_ref.at[pl.ds(dst_base + full * buf_rows, rem)])


def _pad_chunks(idx_1d):
    n_chunks = idx_1d.shape[0] // CHUNK
    per_w = ((n_chunks + NW - 1) // NW + 7) // 8 * 8
    rows = idx_1d.reshape(n_chunks, CHUNK)
    return jnp.pad(rows, ((0, per_w * NW - n_chunks), (0, 0))), n_chunks, per_w


def _hist_sc(dst2, n_chunks, per_w, n_nodes):
    n_pad = ((n_nodes + NS * 8 - 1) // (NS * 8)) * (NS * 8)
    rows_per_sub = n_pad // NS
    outer = per_w // NBUF
    mesh = plsc.VectorSubcoreMesh(core_axis_name="c", subcore_axis_name="s")

    @functools.partial(
        pl.kernel, mesh=mesh,
        out_type=jax.ShapeDtypeStruct((NC, n_pad, HW), jnp.float32),
        scratch_types=[
            pltpu.VMEM_SHARED((n_pad, HW), jnp.float32),
            pltpu.VMEM((per_w, CHUNK), jnp.int32),
            pltpu.VMEM((CHUNK, HW), jnp.float32),
        ] + [pltpu.SemaphoreType.DMA] * NBUF,
    )
    def hist_kernel(dst_hbm, hist_hbm, deg_sp, idx_v, val_v, *sems):
        c = lax.axis_index("c")
        s = lax.axis_index("s")
        w = s * NC + c
        base = w * per_w

        _fill_2d(val_v, CHUNK, HW, 0.0)
        _copy_rows(val_v, deg_sp, s * rows_per_sub, rows_per_sub, CHUNK)
        pltpu.sync_copy(dst_hbm.at[pl.ds(base, per_w)], idx_v)
        _fill_2d(val_v, CHUNK, HW, 1.0)
        plsc.subcore_barrier()

        @pl.loop(0, outer)
        def _(o):
            for b in range(NBUF):
                i = o * NBUF + b

                @pl.when(base + i < n_chunks)
                def _():
                    @pl.when(o > 0)
                    def _():
                        pltpu.make_async_copy(
                            val_v, deg_sp.at[idx_v.at[i - NBUF]],
                            sems[b]).wait()
                    pltpu.async_copy(val_v, deg_sp.at[idx_v.at[i]],
                                     sems[b], add=True)

        for b in range(NBUF):
            last = (outer - 1) * NBUF + b

            @pl.when(base + b < n_chunks)
            def _():
                i_fin = jnp.minimum(last, n_chunks - 1 - base)
                pltpu.make_async_copy(val_v, deg_sp.at[idx_v.at[i_fin]],
                                      sems[b]).wait()

        plsc.subcore_barrier()
        pltpu.sync_copy(deg_sp.at[pl.ds(s * rows_per_sub, rows_per_sub)],
                        hist_hbm.at[c, pl.ds(s * rows_per_sub, rows_per_sub)])

    return hist_kernel(dst2)


def _scatter_sc(g, src_flat, dst_flat):
    n_nodes, d = g.shape
    n_edges = src_flat.shape[0]
    n_chunks = n_edges // CHUNK
    outer = (pl.cdiv(n_chunks, NW) + RBUF - 1) // RBUF
    n_pad = ((n_nodes + NS * 8 - 1) // (NS * 8)) * (NS * 8)
    rows_per_sub = n_pad // NS
    mesh = plsc.VectorSubcoreMesh(core_axis_name="c", subcore_axis_name="s")

    @functools.partial(
        pl.kernel, mesh=mesh,
        out_type=jax.ShapeDtypeStruct((NC, n_pad, d), jnp.float32),
        scratch_types=[pltpu.VMEM_SHARED((n_pad, d), jnp.float32)]
        + [pltpu.VMEM((CHUNK,), jnp.int32)] * (2 * RBUF)
        + [pltpu.VMEM((CHUNK, d), jnp.float32)] * RBUF
        + [pltpu.SemaphoreType.DMA] * (4 * RBUF),
    )
    def scatter_kernel(g_hbm, src_hbm, dst_hbm, out_hbm, acc_sp, *scr):
        srcv = scr[:RBUF]
        dstv = scr[RBUF:2 * RBUF]
        rows = scr[2 * RBUF:3 * RBUF]
        isem = scr[3 * RBUF:4 * RBUF]
        jsem = scr[4 * RBUF:5 * RBUF]
        gsem = scr[5 * RBUF:6 * RBUF]
        ssem = scr[6 * RBUF:7 * RBUF]
        c = lax.axis_index("c")
        s = lax.axis_index("s")
        w = s * NC + c

        _fill_2d(rows[0], CHUNK, d, 0.0)
        _copy_rows(rows[0], acc_sp, s * rows_per_sub, rows_per_sub, CHUNK)
        plsc.subcore_barrier()

        @pl.loop(0, outer)
        def _(o):
            for b in range(RBUF):
                chunk = (o * RBUF + b) * NW + w

                @pl.when(chunk < n_chunks)
                def _():
                    @pl.when(o > 0)
                    def _():
                        pltpu.make_async_copy(
                            rows[b], acc_sp.at[dstv[b]], ssem[b]).wait()
                    pltpu.async_copy(
                        src_hbm.at[pl.ds(chunk * CHUNK, CHUNK)],
                        srcv[b], isem[b])
                    pltpu.async_copy(
                        dst_hbm.at[pl.ds(chunk * CHUNK, CHUNK)],
                        dstv[b], jsem[b])
            for b in range(RBUF):
                chunk = (o * RBUF + b) * NW + w

                @pl.when(chunk < n_chunks)
                def _():
                    pltpu.make_async_copy(
                        src_hbm.at[pl.ds(chunk * CHUNK, CHUNK)],
                        srcv[b], isem[b]).wait()
                    pltpu.async_copy(g_hbm.at[srcv[b]], rows[b], gsem[b])
            for b in range(RBUF):
                chunk = (o * RBUF + b) * NW + w

                @pl.when(chunk < n_chunks)
                def _():
                    pltpu.make_async_copy(
                        g_hbm.at[srcv[b]], rows[b], gsem[b]).wait()
                    pltpu.make_async_copy(
                        dst_hbm.at[pl.ds(chunk * CHUNK, CHUNK)],
                        dstv[b], jsem[b]).wait()
                    pltpu.async_copy(rows[b], acc_sp.at[dstv[b]],
                                     ssem[b], add=True)

        for b in range(RBUF):
            @pl.when(b * NW + w < n_chunks)
            def _():
                pltpu.make_async_copy(rows[b], acc_sp.at[dstv[b]],
                                      ssem[b]).wait()

        plsc.subcore_barrier()
        pltpu.sync_copy(acc_sp.at[pl.ds(s * rows_per_sub, rows_per_sub)],
                        out_hbm.at[c, pl.ds(s * rows_per_sub, rows_per_sub)])

    return scatter_kernel(g, src_flat, dst_flat)


def _scale_tc(x, hist):
    n, d = x.shape
    bm = 2000

    def body(x_ref, hist_ref, u_ref, dis_ref):
        deg = hist_ref[0, :, 0:1] + hist_ref[1, :, 0:1] + 1.0
        dis = lax.rsqrt(deg)
        dis_ref[...] = dis
        u_ref[...] = x_ref[...] * dis

    return pl.pallas_call(
        body,
        grid=(n // bm,),
        in_specs=[
            pl.BlockSpec((bm, d), lambda i: (i, 0)),
            pl.BlockSpec((NC, bm, HW), lambda i: (0, i, 0)),
        ],
        out_specs=[
            pl.BlockSpec((bm, d), lambda i: (i, 0)),
            pl.BlockSpec((bm, 1), lambda i: (i, 0)),
        ],
        out_shape=[
            jax.ShapeDtypeStruct((n, d), jnp.float32),
            jax.ShapeDtypeStruct((n, 1), jnp.float32),
        ],
    )(x, hist)


def _combine_tc(partials, u, dis, W, b2):
    n, d = u.shape
    d_out = W.shape[1]
    bm = 2000

    def body(p_ref, u_ref, dis_ref, w_ref, b_ref, o_ref):
        t = p_ref[0] + p_ref[1] + u_ref[...]
        tw = lax.dot_general(
            t, w_ref[...], (((1,), (0,)), ((), ())),
            precision=lax.Precision.HIGHEST,
            preferred_element_type=jnp.float32)
        o_ref[...] = dis_ref[...] * tw + b_ref[...]

    return pl.pallas_call(
        body,
        grid=(n // bm,),
        in_specs=[
            pl.BlockSpec((NC, bm, d), lambda i: (0, i, 0)),
            pl.BlockSpec((bm, d), lambda i: (i, 0)),
            pl.BlockSpec((bm, 1), lambda i: (i, 0)),
            pl.BlockSpec((d, d_out), lambda i: (0, 0)),
            pl.BlockSpec((1, d_out), lambda i: (0, 0)),
        ],
        out_specs=pl.BlockSpec((bm, d_out), lambda i: (i, 0)),
        out_shape=jax.ShapeDtypeStruct((n, d_out), jnp.float32),
    )(partials, u, dis, W, b2)


def kernel(x, edge_index, W, b):
    ei = edge_index.astype(jnp.int32)
    dst2, n_chunks, per_w = _pad_chunks(ei[1])

    hist = _hist_sc(dst2, n_chunks, per_w, x.shape[0])
    u, dis = _scale_tc(x, hist)
    partials = _scatter_sc(u, ei[0], ei[1])
    return _combine_tc(partials, u, dis, W, b.reshape(1, -1))

# --- scband reference (transcript-rebuilt; emitter-appended) ---
"""Pipeline reference for scband-gcn-encoder-24438363914370 (READ-ONLY COPY).

The authoritative reference and input builder live on the scoring server;
editing this copy changes nothing except your own understanding.
"""

import jax, jax.numpy as jnp
import numpy as np

N_NODES = 10000
N_EDGES = 320000
D_IN = 128
D_HID = 128

def setup_inputs(seed: int = 0) -> dict:
    key = jax.random.key(seed)
    k1, k2, k3, k4 = jax.random.split(key, 4)
    x = jax.random.normal(k1, (N_NODES, D_IN), dtype=jnp.float32)
    edge_index = jax.random.randint(k2, (2, N_EDGES), 0, N_NODES, dtype=jnp.int64)
    # GCNConv linear weight (glorot) and bias (zeros init in PyG)
    limit = float(np.sqrt(6.0 / (D_IN + D_HID)))
    W = jax.random.uniform(k3, (D_IN, D_HID), minval=-limit, maxval=limit, dtype=jnp.float32)
    b = jnp.zeros((D_HID,), dtype=jnp.float32)
    return {"x": x, "edge_index": edge_index, "W": W, "b": b}

def reference(x, edge_index, W, b):
    N = x.shape[0]
    src = edge_index[0]
    dst = edge_index[1]
    # add self loops (PyG GCNConv default add_self_loops=True)
    loop = jnp.arange(N, dtype=src.dtype)
    src = jnp.concatenate([src, loop])
    dst = jnp.concatenate([dst, loop])
    edge_weight = jnp.ones((src.shape[0],), dtype=x.dtype)
    # symmetric gcn normalization: deg computed on target (col) index
    deg = jnp.zeros((N,), dtype=x.dtype).at[dst].add(edge_weight)
    deg_inv_sqrt = jnp.where(deg > 0, deg ** -0.5, 0.0)
    norm = deg_inv_sqrt[src] * edge_weight * deg_inv_sqrt[dst]
    # linear transform then propagate
    h = x @ W
    msg = h[src] * norm[:, None]
    out = jax.ops.segment_sum(msg, dst, num_segments=N)
    out = out + b
    return out

if __name__ == "__main__":
    import jax
    _d = setup_inputs()
    print(jax.jit(kernel)(*tuple(_d.values())))

</pallas_src>

<mosaic_0001>
#map = affine_map<(d0, d1) -> (0, 0)>
#map1 = affine_map<(d0, d1) -> (0, 0, 0)>
module attributes {stable_mosaic.version = 14 : i64} {
  func.func @hist_kernel(%arg0: i32, %arg1: i32, %arg2: memref<2560x128xi32, #tpu.memory_space<hbm>>, %arg3: memref<2x10112x16xf32, #tpu.memory_space<hbm>>, %arg4: memref<10112x16xf32, #tpu.memory_space<vmem_shared>>, %arg5: memref<80x128xi32, #tpu.memory_space<vmem>>, %arg6: memref<128x16xf32, #tpu.memory_space<vmem>>, %arg7: memref<!tpu.dma_semaphore, #tpu.memory_space<semaphore_mem>>, %arg8: memref<!tpu.dma_semaphore, #tpu.memory_space<semaphore_mem>>, %arg9: memref<!tpu.dma_semaphore, #tpu.memory_space<semaphore_mem>>, %arg10: memref<!tpu.dma_semaphore, #tpu.memory_space<semaphore_mem>>) attributes {dimension_semantics = [#tpu.dimension_semantics<core_parallel>, #tpu.dimension_semantics<subcore_parallel>], iteration_bounds = array<i64: 2, 16>, scalar_prefetch = 0 : i64, scratch_operands = 7 : i64, tpu.core_type = #tpu.core_type<sc_vector_subcore>, window_params = [{transform_indices = #map}, {transform_indices = #map1}]} {
    %mul3A = arith.constant 2 : i32
    %mul3A_0 = arith.muli %arg1, %mul3A : i32
    %add3A = arith.addi %mul3A_0, %arg0 : i32
    %mul3A_1 = arith.constant 80 : i32
    %mul3A_2 = arith.muli %add3A, %mul3A_1 : i32
    %broadcast_in_dim3A = arith.constant 0.000000e+00 : f32
    %broadcast_in_dim3A_3 = vector.broadcast %broadcast_in_dim3A : f32 to vector<16xf32>
    %scan3A = arith.constant 0 : i32
    %scan3A_4 = arith.constant 128 : i32
    %scan3A_5 = arith.addi %scan3A, %scan3A_4 : i32
    %scan3A_6 = arith.constant 1 : i32
    scf.for %scan3A_62 = %scan3A to %scan3A_5 step %scan3A_6  : i32 {
      %mul3A_63 = arith.constant 1 : i32
      %mul3A_64 = arith.muli %scan3A_62, %mul3A_63 : i32
      %add3A_65 = arith.constant 0 : i32
      %add3A_66 = arith.addi %add3A_65, %mul3A_64 : i32
      %swap3A = arith.index_cast %add3A_66 : i32 to index
      %swap3A_67 = arith.constant 0 : index
      %swap3A_68 = tpu.vector_load %arg6[%swap3A, %swap3A_67] {strides = array<i32>} : memref<128x16xf32, #tpu.memory_space<vmem>>, vector<1x16xf32>,
      %swap3A_69 = vector.shape_cast %swap3A_68 : vector<1x16xf32> to vector<16xf32>
      %swap3A_70 = vector.shape_cast %broadcast_in_dim3A_3 : vector<16xf32> to vector<1x16xf32>
      tpu.vector_store %arg6[%swap3A, %swap3A_67], %swap3A_70 {strides = array<i32>} : memref<128x16xf32, #tpu.memory_space<vmem>>, vector<1x16xf32>,
    }
    %scan3A_7 = arith.constant 128 : i32
    %mul3A_8 = arith.constant 632 : i32
    %mul3A_9 = arith.muli %arg1, %mul3A_8 : i32
    %add3A_10 = arith.constant 0 : i32
    %add3A_11 = arith.addi %mul3A_9, %add3A_10 : i32
    "tpu.region"() ({
      %run_scoped3A = tpu.sem_alloc : memref<!tpu.dma_semaphore, #tpu.memory_space<semaphore_mem>>
      %dma_start3A = arith.constant 0 : i32
      %dma_start3A_62 = tpu.memref_slice %arg4[%add3A_11, %dma_start3A] : memref<10112x16xf32, #tpu.memory_space<vmem_shared>> -> memref<128x16xf32, #tpu.memory_space<vmem_shared>>
      %dma_start3A_63 = arith.constant 0 : i32
      %dma_start3A_64 = tpu.memref_slice %arg4[%add3A_11, %dma_start3A_63] : memref<10112x16xf32, #tpu.memory_space<vmem_shared>> -> memref<128x16xf32, #tpu.memory_space<vmem_shared>>
      tpu.enqueue_dma source(%arg6 : memref<128x16xf32, #tpu.memory_space<vmem>>) target(%dma_start3A_64 : memref<128x16xf32, #tpu.memory_space<vmem_shared>>) target_semaphore(%run_scoped3A : memref<!tpu.dma_semaphore, #tpu.memory_space<semaphore_mem>>)
      %dma_wait3A = arith.constant 0 : i32
      %dma_wait3A_65 = tpu.memref_slice %arg4[%add3A_11, %dma_wait3A] : memref<10112x16xf32, #tpu.memory_space<vmem_shared>> -> memref<128x16xf32, #tpu.memory_space<vmem_shared>>
      %dma_wait3A_66 = arith.constant 0 : i32
      %dma_wait3A_67 = tpu.memref_slice %arg4[%add3A_11, %dma_wait3A_66] : memref<10112x16xf32, #tpu.memory_space<vmem_shared>> -> memref<128x16xf32, #tpu.memory_space<vmem_shared>>
      tpu.wait_dma2 semaphore(%run_scoped3A : memref<!tpu.dma_semaphore, #tpu.memory_space<semaphore_mem>>) src(%arg6 : memref<128x16xf32, #tpu.memory_space<vmem>>) dst(%dma_wait3A_67 : memref<128x16xf32, #tpu.memory_space<vmem_shared>>)
      tpu.yield
    }) : () -> ()
    %add3A_12 = arith.constant 128 : i32
    %add3A_13 = arith.addi %mul3A_9, %add3A_12 : i32
    "tpu.region"() ({
      %run_scoped3A = tpu.sem_alloc : memref<!tpu.dma_semaphore, #tpu.memory_space<semaphore_mem>>
      %dma_start3A = arith.constant 0 : i32
      %dma_start3A_62 = tpu.memref_slice %arg4[%add3A_13, %dma_start3A] : memref<10112x16xf32, #tpu.memory_space<vmem_shared>> -> memref<128x16xf32, #tpu.memory_space<vmem_shared>>
      %dma_start3A_63 = arith.constant 0 : i32
      %dma_start3A_64 = tpu.memref_slice %arg4[%add3A_13, %dma_start3A_63] : memref<10112x16xf32, #tpu.memory_space<vmem_shared>> -> memref<128x16xf32, #tpu.memory_space<vmem_shared>>
      tpu.enqueue_dma source(%arg6 : memref<128x16xf32, #tpu.memory_space<vmem>>) target(%dma_start3A_64 : memref<128x16xf32, #tpu.memory_space<vmem_shared>>) target_semaphore(%run_scoped3A : memref<!tpu.dma_semaphore, #tpu.memory_space<semaphore_mem>>)
      %dma_wait3A = arith.constant 0 : i32
      %dma_wait3A_65 = tpu.memref_slice %arg4[%add3A_13, %dma_wait3A] : memref<10112x16xf32, #tpu.memory_space<vmem_shared>> -> memref<128x16xf32, #tpu.memory_space<vmem_shared>>
      %dma_wait3A_66 = arith.constant 0 : i32
      %dma_wait3A_67 = tpu.memref_slice %arg4[%add3A_13, %dma_wait3A_66] : memref<10112x16xf32, #tpu.memory_space<vmem_shared>> -> memref<128x16xf32, #tpu.memory_space<vmem_shared>>
      tpu.wait_dma2 semaphore(%run_scoped3A : memref<!tpu.dma_semaphore, #tpu.memory_space<semaphore_mem>>) src(%arg6 : memref<128x16xf32, #tpu.memory_space<vmem>>) dst(%dma_wait3A_67 : memref<128x16xf32, #tpu.memory_space<vmem_shared>>)
      tpu.yield
    }) : () -> ()
    %add3A_14 = arith.constant 256 : i32
    %add3A_15 = arith.addi %mul3A_9, %add3A_14 : i32
    "tpu.region"() ({
      %run_scoped3A = tpu.sem_alloc : memref<!tpu.dma_semaphore, #tpu.memory_space<semaphore_mem>>
      %dma_start3A = arith.constant 0 : i32
      %dma_start3A_62 = tpu.memref_slice %arg4[%add3A_15, %dma_start3A] : memref<10112x16xf32, #tpu.memory_space<vmem_shared>> -> memref<128x16xf32, #tpu.memory_space<vmem_shared>>
      %dma_start3A_63 = arith.constant 0 : i32
      %dma_start3A_64 = tpu.memref_slice %arg4[%add3A_15, %dma_start3A_63] : memref<10112x16xf32, #tpu.memory_space<vmem_shared>> -> memref<128x16xf32, #tpu.memory_space<vmem_shared>>
      tpu.enqueue_dma source(%arg6 : memref<128x16xf32, #tpu.memory_space<vmem>>) target(%dma_start3A_64 : memref<128x16xf32, #tpu.memory_space<vmem_shared>>) target_semaphore(%run_scoped3A : memref<!tpu.dma_semaphore, #tpu.memory_space<semaphore_mem>>)
      %dma_wait3A = arith.constant 0 : i32
      %dma_wait3A_65 = tpu.memref_slice %arg4[%add3A_15, %dma_wait3A] : memref<10112x16xf32, #tpu.memory_space<vmem_shared>> -> memref<128x16xf32, #tpu.memory_space<vmem_shared>>
      %dma_wait3A_66 = arith.constant 0 : i32
      %dma_wait3A_67 = tpu.memref_slice %arg4[%add3A_15, %dma_wait3A_66] : memref<10112x16xf32, #tpu.memory_space<vmem_shared>> -> memref<128x16xf32, #tpu.memory_space<vmem_shared>>
      tpu.wait_dma2 semaphore(%run_scoped3A : memref<!tpu.dma_semaphore, #tpu.memory_space<semaphore_mem>>) src(%arg6 : memref<128x16xf32, #tpu.memory_space<vmem>>) dst(%dma_wait3A_67 : memref<128x16xf32, #tpu.memory_space<vmem_shared>>)
      tpu.yield
    }) : () -> ()
    %add3A_16 = arith.constant 384 : i32
    %add3A_17 = arith.addi %mul3A_9, %add3A_16 : i32
    "tpu.region"() ({
      %run_scoped3A = tpu.sem_alloc : memref<!tpu.dma_semaphore, #tpu.memory_space<semaphore_mem>>
      %dma_start3A = arith.constant 0 : i32
      %dma_start3A_62 = tpu.memref_slice %arg4[%add3A_17, %dma_start3A] : memref<10112x16xf32, #tpu.memory_space<vmem_shared>> -> memref<128x16xf32, #tpu.memory_space<vmem_shared>>
      %dma_start3A_63 = arith.constant 0 : i32
      %dma_start3A_64 = tpu.memref_slice %arg4[%add3A_17, %dma_start3A_63] : memref<10112x16xf32, #tpu.memory_space<vmem_shared>> -> memref<128x16xf32, #tpu.memory_space<vmem_shared>>
      tpu.enqueue_dma source(%arg6 : memref<128x16xf32, #tpu.memory_space<vmem>>) target(%dma_start3A_64 : memref<128x16xf32, #tpu.memory_space<vmem_shared>>) target_semaphore(%run_scoped3A : memref<!tpu.dma_semaphore, #tpu.memory_space<semaphore_mem>>)
      %dma_wait3A = arith.constant 0 : i32
      %dma_wait3A_65 = tpu.memref_slice %arg4[%add3A_17, %dma_wait3A] : memref<10112x16xf32, #tpu.memory_space<vmem_shared>> -> memref<128x16xf32, #tpu.memory_space<vmem_shared>>
      %dma_wait3A_66 = arith.constant 0 : i32
      %dma_wait3A_67 = tpu.memref_slice %arg4[%add3A_17, %dma_wait3A_66] : memref<10112x16xf32, #tpu.memory_space<vmem_shared>> -> memref<128x16xf32, #tpu.memory_space<vmem_shared>>
      tpu.wait_dma2 semaphore(%run_scoped3A : memref<!tpu.dma_semaphore, #tpu.memory_space<semaphore_mem>>) src(%arg6 : memref<128x16xf32, #tpu.memory_space<vmem>>) dst(%dma_wait3A_67 : memref<128x16xf32, #tpu.memory_space<vmem_shared>>)
      tpu.yield
    }) : () -> ()
    %add3A_18 = arith.constant 512 : i32
    %add3A_19 = arith.addi %mul3A_9, %add3A_18 : i32
    "tpu.region"() ({
      %run_scoped3A = tpu.sem_alloc : memref<!tpu.dma_semaphore, #tpu.memory_space<semaphore_mem>>
      %dma_start3A = arith.constant 0 : i32
      %dma_start3A_62 = arith.constant 0 : i32
      %dma_start3A_63 = tpu.memref_slice %arg6[%dma_start3A, %dma_start3A_62] : memref<128x16xf32, #tpu.memory_space<vmem>> -> memref<120x16xf32, #tpu.memory_space<vmem>>
      %dma_start3A_64 = arith.constant 0 : i32
      %dma_start3A_65 = tpu.memref_slice %arg4[%add3A_19, %dma_start3A_64] : memref<10112x16xf32, #tpu.memory_space<vmem_shared>> -> memref<120x16xf32, #tpu.memory_space<vmem_shared>>
      %dma_start3A_66 = arith.constant 0 : i32
      %dma_start3A_67 = tpu.memref_slice %arg4[%add3A_19, %dma_start3A_66] : memref<10112x16xf32, #tpu.memory_space<vmem_shared>> -> memref<120x16xf32, #tpu.memory_space<vmem_shared>>
      %dma_start3A_68 = arith.constant 0 : i32
      %dma_start3A_69 = arith.constant 0 : i32
      %dma_start3A_70 = tpu.memref_slice %arg6[%dma_start3A_68, %dma_start3A_69] : memref<128x16xf32, #tpu.memory_space<vmem>> -> memref<120x16xf32, #tpu.memory_space<vmem>>
      tpu.enqueue_dma source(%dma_start3A_70 : memref<120x16xf32, #tpu.memory_space<vmem>>) target(%dma_start3A_67 : memref<120x16xf32, #tpu.memory_space<vmem_shared>>) target_semaphore(%run_scoped3A : memref<!tpu.dma_semaphore, #tpu.memory_space<semaphore_mem>>)
      %dma_wait3A = arith.constant 0 : i32
      %dma_wait3A_71 = arith.constant 0 : i32
      %dma_wait3A_72 = tpu.memref_slice %arg6[%dma_wait3A, %dma_wait3A_71] : memref<128x16xf32, #tpu.memory_space<vmem>> -> memref<120x16xf32, #tpu.memory_space<vmem>>
      %dma_wait3A_73 = arith.constant 0 : i32
      %dma_wait3A_74 = tpu.memref_slice %arg4[%add3A_19, %dma_wait3A_73] : memref<10112x16xf32, #tpu.memory_space<vmem_shared>> -> memref<120x16xf32, #tpu.memory_space<vmem_shared>>
      %dma_wait3A_75 = arith.constant 0 : i32
      %dma_wait3A_76 = tpu.memref_slice %arg4[%add3A_19, %dma_wait3A_75] : memref<10112x16xf32, #tpu.memory_space<vmem_shared>> -> memref<120x16xf32, #tpu.memory_space<vmem_shared>>
      %dma_wait3A_77 = arith.constant 0 : i32
      %dma_wait3A_78 = arith.constant 0 : i32
      %dma_wait3A_79 = tpu.memref_slice %arg6[%dma_wait3A_77, %dma_wait3A_78] : memref<128x16xf32, #tpu.memory_space<vmem>> -> memref<120x16xf32, #tpu.memory_space<vmem>>
      tpu.wait_dma2 semaphore(%run_scoped3A : memref<!tpu.dma_semaphore, #tpu.memory_space<semaphore_mem>>) src(%dma_wait3A_79 : memref<120x16xf32, #tpu.memory_space<vmem>>) dst(%dma_wait3A_76 : memref<120x16xf32, #tpu.memory_space<vmem_shared>>)
      tpu.yield
    }) : () -> ()
    "tpu.region"() ({
      %run_scoped3A = tpu.sem_alloc : memref<!tpu.dma_semaphore, #tpu.memory_space<semaphore_mem>>
      %dma_start3A = arith.constant 0 : i32
      %dma_start3A_62 = tpu.memref_slice %arg2[%mul3A_2, %dma_start3A] : memref<2560x128xi32, #tpu.memory_space<hbm>> -> memref<80x128xi32, #tpu.memory_space<hbm>>
      %dma_start3A_63 = arith.constant 0 : i32
      %dma_start3A_64 = tpu.memref_slice %arg2[%mul3A_2, %dma_start3A_63] : memref<2560x128xi32, #tpu.memory_space<hbm>> -> memref<80x128xi32, #tpu.memory_space<hbm>>
      tpu.enqueue_dma source(%dma_start3A_64 : memref<80x128xi32, #tpu.memory_space<hbm>>) target(%arg5 : memref<80x128xi32, #tpu.memory_space<vmem>>) target_semaphore(%run_scoped3A : memref<!tpu.dma_semaphore, #tpu.memory_space<semaphore_mem>>)
      %dma_wait3A = arith.constant 0 : i32
      %dma_wait3A_65 = tpu.memref_slice %arg2[%mul3A_2, %dma_wait3A] : memref<2560x128xi32, #tpu.memory_space<hbm>> -> memref<80x128xi32, #tpu.memory_space<hbm>>
      %dma_wait3A_66 = arith.constant 0 : i32
      %dma_wait3A_67 = tpu.memref_slice %arg2[%mul3A_2, %dma_wait3A_66] : memref<2560x128xi32, #tpu.memory_space<hbm>> -> memref<80x128xi32, #tpu.memory_space<hbm>>
      tpu.wait_dma2 semaphore(%run_scoped3A : memref<!tpu.dma_semaphore, #tpu.memory_space<semaphore_mem>>) src(%dma_wait3A_67 : memref<80x128xi32, #tpu.memory_space<hbm>>) dst(%arg5 : memref<80x128xi32, #tpu.memory_space<vmem>>)
      tpu.yield
    }) : () -> ()
    %broadcast_in_dim3A_20 = arith.constant 1.000000e+00 : f32
    %broadcast_in_dim3A_21 = vector.broadcast %broadcast_in_dim3A_20 : f32 to vector<16xf32>
    %scan3A_22 = arith.constant 0 : i32
    %scan3A_23 = arith.constant 128 : i32
    %scan3A_24 = arith.addi %scan3A_22, %scan3A_23 : i32
    %scan3A_25 = arith.constant 1 : i32
    scf.for %scan3A_62 = %scan3A_22 to %scan3A_24 step %scan3A_25  : i32 {
      %mul3A_63 = arith.constant 1 : i32
      %mul3A_64 = arith.muli %scan3A_62, %mul3A_63 : i32
      %add3A_65 = arith.constant 0 : i32
      %add3A_66 = arith.addi %add3A_65, %mul3A_64 : i32
      %swap3A = arith.index_cast %add3A_66 : i32 to index
      %swap3A_67 = arith.constant 0 : index
      %swap3A_68 = tpu.vector_load %arg6[%swap3A, %swap3A_67] {strides = array<i32>} : memref<128x16xf32, #tpu.memory_space<vmem>>, vector<1x16xf32>,
      %swap3A_69 = vector.shape_cast %swap3A_68 : vector<1x16xf32> to vector<16xf32>
      %swap3A_70 = vector.shape_cast %broadcast_in_dim3A_21 : vector<16xf32> to vector<1x16xf32>
      tpu.vector_store %arg6[%swap3A, %swap3A_67], %swap3A_70 {strides = array<i32>} : memref<128x16xf32, #tpu.memory_space<vmem>>, vector<1x16xf32>,
    }
    %scan3A_26 = arith.constant 128 : i32
    %barrier3A = arith.constant 0 : index
    tpu.barrier barrier_id(%barrier3A)
    %scan3A_27 = arith.constant 0 : i32
    %scan3A_28 = arith.constant 20 : i32
    %scan3A_29 = arith.addi %scan3A_27, %scan3A_28 : i32
    %scan3A_30 = arith.constant 1 : i32
    scf.for %scan3A_62 = %scan3A_27 to %scan3A_29 step %scan3A_30  : i32 {
      %mul3A_63 = arith.constant 1 : i32
      %mul3A_64 = arith.muli %scan3A_62, %mul3A_63 : i32
      %add3A_65 = arith.constant 0 : i32
      %add3A_66 = arith.addi %add3A_65, %mul3A_64 : i32
      %mul3A_67 = arith.constant 4 : i32
      %mul3A_68 = arith.muli %add3A_66, %mul3A_67 : i32
      %add3A_69 = arith.constant 0 : i32
      %add3A_70 = arith.addi %mul3A_68, %add3A_69 : i32
      %add3A_71 = arith.addi %mul3A_2, %add3A_70 : i32
      %lt3A_72 = arith.constant 2500 : i32
      %lt3A_73 = arith.cmpi slt, %add3A_71, %lt3A_72 : i32
      %convert_element_type3A_74 = arith.extui %lt3A_73 : i1 to i32
      %cond3A_75 = arith.constant 0 : i32
      %cond3A_76 = arith.cmpi ne, %convert_element_type3A_74, %cond3A_75 : i32
      scf.if %cond3A_76 {
        %gt3A = arith.constant 0 : i32
        %gt3A_107 = arith.cmpi sgt, %add3A_66, %gt3A : i32
        %convert_element_type3A_108 = arith.extui %gt3A_107 : i1 to i32
        %cond3A_109 = arith.constant 0 : i32
        %cond3A_110 = arith.cmpi ne, %convert_element_type3A_108, %cond3A_109 : i32
        scf.if %cond3A_110 {
          %sub3A = arith.constant 4 : i32
          %sub3A_116 = arith.subi %add3A_70, %sub3A : i32
          %dma_wait3A = arith.constant 0 : i32
          %dma_wait3A_117 = tpu.memref_slice %arg5[%sub3A_116, %dma_wait3A] : memref<80x128xi32, #tpu.memory_space<vmem>> -> memref<1x128xi32, #tpu.memory_space<vmem>>
          %dma_wait3A_118 = tpu.memref_squeeze %dma_wait3A_117 : memref<1x128xi32, #tpu.memory_space<vmem>> -> memref<128xi32, #tpu.memory_space<vmem>>
          %dma_wait3A_119 = arith.constant 0 : i32
          %dma_wait3A_120 = arith.constant 0 : i32
          %dma_wait3A_121 = tpu.memref_slice %arg4[%dma_wait3A_119, %dma_wait3A_120] : memref<10112x16xf32, #tpu.memory_space<vmem_shared>> -> memref<10112x16xf32, #tpu.memory_space<vmem_shared>>
          tpu.wait_indirect_dma semaphore(%arg7 : memref<!tpu.dma_semaphore, #tpu.memory_space<semaphore_mem>>) src(%arg6 : memref<128x16xf32, #tpu.memory_space<vmem>>) dst(%dma_wait3A_121 : memref<10112x16xf32, #tpu.memory_space<vmem_shared>>)
        } else {
        }
        %dma_start3A = arith.constant 0 : i32
        %dma_start3A_111 = tpu.memref_slice %arg5[%add3A_70, %dma_start3A] : memref<80x128xi32, #tpu.memory_space<vmem>> -> memref<1x128xi32, #tpu.memory_space<vmem>>
        %dma_start3A_112 = tpu.memref_squeeze %dma_start3A_111 : memref<1x128xi32, #tpu.memory_space<vmem>> -> memref<128xi32, #tpu.memory_space<vmem>>
        %dma_start3A_113 = arith.constant 0 : i32
        %dma_start3A_114 = arith.constant 0 : i32
        %dma_start3A_115 = tpu.memref_slice %arg4[%dma_start3A_113, %dma_start3A_114] : memref<10112x16xf32, #tpu.memory_space<vmem_shared>> -> memref<10112x16xf32, #tpu.memory_space<vmem_shared>>
        tpu.enqueue_indirect_dma source(%arg6 : memref<128x16xf32, #tpu.memory_space<vmem>>) target(%dma_start3A_115 : memref<10112x16xf32, #tpu.memory_space<vmem_shared>>) offsets(%dma_start3A_112 : memref<128xi32, #tpu.memory_space<vmem>>) semaphore(%arg7 : memref<!tpu.dma_semaphore, #tpu.memory_space<semaphore_mem>>) {add = true}
      } else {
      }
      %mul3A_77 = arith.constant 4 : i32
      %mul3A_78 = arith.muli %add3A_66, %mul3A_77 : i32
      %add3A_79 = arith.constant 1 : i32
      %add3A_80 = arith.addi %mul3A_78, %add3A_79 : i32
      %add3A_81 = arith.addi %mul3A_2, %add3A_80 : i32
      %lt3A_82 = arith.constant 2500 : i32
      %lt3A_83 = arith.cmpi slt, %add3A_81, %lt3A_82 : i32
      %convert_element_type3A_84 = arith.extui %lt3A_83 : i1 to i32
      %cond3A_85 = arith.constant 0 : i32
      %cond3A_86 = arith.cmpi ne, %convert_element_type3A_84, %cond3A_85 : i32
      scf.if %cond3A_86 {
        %gt3A = arith.constant 0 : i32
        %gt3A_107 = arith.cmpi sgt, %add3A_66, %gt3A : i32
        %convert_element_type3A_108 = arith.extui %gt3A_107 : i1 to i32
        %cond3A_109 = arith.constant 0 : i32
        %cond3A_110 = arith.cmpi ne, %convert_element_type3A_108, %cond3A_109 : i32
        scf.if %cond3A_110 {
          %sub3A = arith.constant 4 : i32
          %sub3A_116 = arith.subi %add3A_80, %sub3A : i32
          %dma_wait3A = arith.constant 0 : i32
          %dma_wait3A_117 = tpu.memref_slice %arg5[%sub3A_116, %dma_wait3A] : memref<80x128xi32, #tpu.memory_space<vmem>> -> memref<1x128xi32, #tpu.memory_space<vmem>>
          %dma_wait3A_118 = tpu.memref_squeeze %dma_wait3A_117 : memref<1x128xi32, #tpu.memory_space<vmem>> -> memref<128xi32, #tpu.memory_space<vmem>>
          %dma_wait3A_119 = arith.constant 0 : i32
          %dma_wait3A_120 = arith.constant 0 : i32
          %dma_wait3A_121 = tpu.memref_slice %arg4[%dma_wait3A_119, %dma_wait3A_120] : memref<10112x16xf32, #tpu.memory_space<vmem_shared>> -> memref<10112x16xf32, #tpu.memory_space<vmem_shared>>
          tpu.wait_indirect_dma semaphore(%arg8 : memref<!tpu.dma_semaphore, #tpu.memory_space<semaphore_mem>>) src(%arg6 : memref<128x16xf32, #tpu.memory_space<vmem>>) dst(%dma_wait3A_121 : memref<10112x16xf32, #tpu.memory_space<vmem_shared>>)
        } else {
        }
        %dma_start3A = arith.constant 0 : i32
        %dma_start3A_111 = tpu.memref_slice %arg5[%add3A_80, %dma_start3A] : memref<80x128xi32, #tpu.memory_space<vmem>> -> memref<1x128xi32, #tpu.memory_space<vmem>>
        %dma_start3A_112 = tpu.memref_squeeze %dma_start3A_111 : memref<1x128xi32, #tpu.memory_space<vmem>> -> memref<128xi32, #tpu.memory_space<vmem>>
        %dma_start3A_113 = arith.constant 0 : i32
        %dma_start3A_114 = arith.constant 0 : i32
        %dma_start3A_115 = tpu.memref_slice %arg4[%dma_start3A_113, %dma_start3A_114] : memref<10112x16xf32, #tpu.memory_space<vmem_shared>> -> memref<10112x16xf32, #tpu.memory_space<vmem_shared>>
        tpu.enqueue_indirect_dma source(%arg6 : memref<128x16xf32, #tpu.memory_space<vmem>>) target(%dma_start3A_115 : memref<10112x16xf32, #tpu.memory_space<vmem_shared>>) offsets(%dma_start3A_112 : memref<128xi32, #tpu.memory_space<vmem>>) semaphore(%arg8 : memref<!tpu.dma_semaphore, #tpu.memory_space<semaphore_mem>>) {add = true}
      } else {
      }
      %mul3A_87 = arith.constant 4 : i32
      %mul3A_88 = arith.muli %add3A_66, %mul3A_87 : i32
      %add3A_89 = arith.constant 2 : i32
      %add3A_90 = arith.addi %mul3A_88, %add3A_89 : i32
      %add3A_91 = arith.addi %mul3A_2, %add3A_90 : i32
      %lt3A_92 = arith.constant 2500 : i32
      %lt3A_93 = arith.cmpi slt, %add3A_91, %lt3A_92 : i32
      %convert_element_type3A_94 = arith.extui %lt3A_93 : i1 to i32
      %cond3A_95 = arith.constant 0 : i32
      %cond3A_96 = arith.cmpi ne, %convert_element_type3A_94, %cond3A_95 : i32
      scf.if %cond3A_96 {
        %gt3A = arith.constant 0 : i32
        %gt3A_107 = arith.cmpi sgt, %add3A_66, %gt3A : i32
        %convert_element_type3A_108 = arith.extui %gt3A_107 : i1 to i32
        %cond3A_109 = arith.constant 0 : i32
        %cond3A_110 = arith.cmpi ne, %convert_element_type3A_108, %cond3A_109 : i32
        scf.if %cond3A_110 {
          %sub3A = arith.constant 4 : i32
          %sub3A_116 = arith.subi %add3A_90, %sub3A : i32
          %dma_wait3A = arith.constant 0 : i32
          %dma_wait3A_117 = tpu.memref_slice %arg5[%sub3A_116, %dma_wait3A] : memref<80x128xi32, #tpu.memory_space<vmem>> -> memref<1x128xi32, #tpu.memory_space<vmem>>
          %dma_wait3A_118 = tpu.memref_squeeze %dma_wait3A_117 : memref<1x128xi32, #tpu.memory_space<vmem>> -> memref<128xi32, #tpu.memory_space<vmem>>
          %dma_wait3A_119 = arith.constant 0 : i32
          %dma_wait3A_120 = arith.constant 0 : i32
          %dma_wait3A_121 = tpu.memref_slice %arg4[%dma_wait3A_119, %dma_wait3A_120] : memref<10112x16xf32, #tpu.memory_space<vmem_shared>> -> memref<10112x16xf32, #tpu.memory_space<vmem_shared>>
          tpu.wait_indirect_dma semaphore(%arg9 : memref<!tpu.dma_semaphore, #tpu.memory_space<semaphore_mem>>) src(%arg6 : memref<128x16xf32, #tpu.memory_space<vmem>>) dst(%dma_wait3A_121 : memref<10112x16xf32, #tpu.memory_space<vmem_shared>>)
        } else {
        }
        %dma_start3A = arith.constant 0 : i32
        %dma_start3A_111 = tpu.memref_slice %arg5[%add3A_90, %dma_start3A] : memref<80x128xi32, #tpu.memory_space<vmem>> -> memref<1x128xi32, #tpu.memory_space<vmem>>
        %dma_start3A_112 = tpu.memref_squeeze %dma_start3A_111 : memref<1x128xi32, #tpu.memory_space<vmem>> -> memref<128xi32, #tpu.memory_space<vmem>>
        %dma_start3A_113 = arith.constant 0 : i32
        %dma_start3A_114 = arith.constant 0 : i32
        %dma_start3A_115 = tpu.memref_slice %arg4[%dma_start3A_113, %dma_start3A_114] : memref<10112x16xf32, #tpu.memory_space<vmem_shared>> -> memref<10112x16xf32, #tpu.memory_space<vmem_shared>>
        tpu.enqueue_indirect_dma source(%arg6 : memref<128x16xf32, #tpu.memory_space<vmem>>) target(%dma_start3A_115 : memref<10112x16xf32, #tpu.memory_space<vmem_shared>>) offsets(%dma_start3A_112 : memref<128xi32, #tpu.memory_space<vmem>>) semaphore(%arg9 : memref<!tpu.dma_semaphore, #tpu.memory_space<semaphore_mem>>) {add = true}
      } else {
      }
      %mul3A_97 = arith.constant 4 : i32
      %mul3A_98 = arith.muli %add3A_66, %mul3A_97 : i32
      %add3A_99 = arith.constant 3 : i32
      %add3A_100 = arith.addi %mul3A_98, %add3A_99 : i32
      %add3A_101 = arith.addi %mul3A_2, %add3A_100 : i32
      %lt3A_102 = arith.constant 2500 : i32
      %lt3A_103 = arith.cmpi slt, %add3A_101, %lt3A_102 : i32
      %convert_element_type3A_104 = arith.extui %lt3A_103 : i1 to i32
      %cond3A_105 = arith.constant 0 : i32
      %cond3A_106 = arith.cmpi ne, %convert_element_type3A_104, %cond3A_105 : i32
      scf.if %cond3A_106 {
        %gt3A = arith.constant 0 : i32
        %gt3A_107 = arith.cmpi sgt, %add3A_66, %gt3A : i32
        %convert_element_type3A_108 = arith.extui %gt3A_107 : i1 to i32
        %cond3A_109 = arith.constant 0 : i32
        %cond3A_110 = arith.cmpi ne, %convert_element_type3A_108, %cond3A_109 : i32
        scf.if %cond3A_110 {
          %sub3A = arith.constant 4 : i32
          %sub3A_116 = arith.subi %add3A_100, %sub3A : i32
          %dma_wait3A = arith.constant 0 : i32
          %dma_wait3A_117 = tpu.memref_slice %arg5[%sub3A_116, %dma_wait3A] : memref<80x128xi32, #tpu.memory_space<vmem>> -> memref<1x128xi32, #tpu.memory_space<vmem>>
          %dma_wait3A_118 = tpu.memref_squeeze %dma_wait3A_117 : memref<1x128xi32, #tpu.memory_space<vmem>> -> memref<128xi32, #tpu.memory_space<vmem>>
          %dma_wait3A_119 = arith.constant 0 : i32
          %dma_wait3A_120 = arith.constant 0 : i32
          %dma_wait3A_121 = tpu.memref_slice %arg4[%dma_wait3A_119, %dma_wait3A_120] : memref<10112x16xf32, #tpu.memory_space<vmem_shared>> -> memref<10112x16xf32, #tpu.memory_space<vmem_shared>>
          tpu.wait_indirect_dma semaphore(%arg10 : memref<!tpu.dma_semaphore, #tpu.memory_space<semaphore_mem>>) src(%arg6 : memref<128x16xf32, #tpu.memory_space<vmem>>) dst(%dma_wait3A_121 : memref<10112x16xf32, #tpu.memory_space<vmem_shared>>)
        } else {
        }
        %dma_start3A = arith.constant 0 : i32
        %dma_start3A_111 = tpu.memref_slice %arg5[%add3A_100, %dma_start3A] : memref<80x128xi32, #tpu.memory_space<vmem>> -> memref<1x128xi32, #tpu.memory_space<vmem>>
        %dma_start3A_112 = tpu.memref_squeeze %dma_start3A_111 : memref<1x128xi32, #tpu.memory_space<vmem>> -> memref<128xi32, #tpu.memory_space<vmem>>
        %dma_start3A_113 = arith.constant 0 : i32
        %dma_start3A_114 = arith.constant 0 : i32
        %dma_start3A_115 = tpu.memref_slice %arg4[%dma_start3A_113, %dma_start3A_114] : memref<10112x16xf32, #tpu.memory_space<vmem_shared>> -> memref<10112x16xf32, #tpu.memory_space<vmem_shared>>
        tpu.enqueue_indirect_dma source(%arg6 : memref<128x16xf32, #tpu.memory_space<vmem>>) target(%dma_start3A_115 : memref<10112x16xf32, #tpu.memory_space<vmem_shared>>) offsets(%dma_start3A_112 : memref<128xi32, #tpu.memory_space<vmem>>) semaphore(%arg10 : memref<!tpu.dma_semaphore, #tpu.memory_space<semaphore_mem>>) {add = true}
      } else {
      }
    }
    %scan3A_31 = arith.constant 20 : i32
    %add3A_32 = arith.constant 0 : i32
    %add3A_33 = arith.addi %mul3A_2, %add3A_32 : i32
    %lt3A = arith.constant 2500 : i32
    %lt3A_34 = arith.cmpi slt, %add3A_33, %lt3A : i32
    %convert_element_type3A = arith.extui %lt3A_34 : i1 to i32
    %cond3A = arith.constant 0 : i32
    %cond3A_35 = arith.cmpi ne, %convert_element_type3A, %cond3A : i32
    scf.if %cond3A_35 {
      %sub3A = arith.constant 2499 : i32
      %sub3A_62 = arith.subi %sub3A, %mul3A_2 : i32
      %min3A = arith.constant 76 : i32
      %min3A_63 = arith.minsi %min3A, %sub3A_62 : i32
      %dma_wait3A = arith.constant 0 : i32
      %dma_wait3A_64 = tpu.memref_slice %arg5[%min3A_63, %dma_wait3A] : memref<80x128xi32, #tpu.memory_space<vmem>> -> memref<1x128xi32, #tpu.memory_space<vmem>>
      %dma_wait3A_65 = tpu.memref_squeeze %dma_wait3A_64 : memref<1x128xi32, #tpu.memory_space<vmem>> -> memref<128xi32, #tpu.memory_space<vmem>>
      %dma_wait3A_66 = arith.constant 0 : i32
      %dma_wait3A_67 = arith.constant 0 : i32
      %dma_wait3A_68 = tpu.memref_slice %arg4[%dma_wait3A_66, %dma_wait3A_67] : memref<10112x16xf32, #tpu.memory_space<vmem_shared>> -> memref<10112x16xf32, #tpu.memory_space<vmem_shared>>
      tpu.wait_indirect_dma semaphore(%arg7 : memref<!tpu.dma_semaphore, #tpu.memory_space<semaphore_mem>>) src(%arg6 : memref<128x16xf32, #tpu.memory_space<vmem>>) dst(%dma_wait3A_68 : memref<10112x16xf32, #tpu.memory_space<vmem_shared>>)
    } else {
    }
    %add3A_36 = arith.constant 1 : i32
    %add3A_37 = arith.addi %mul3A_2, %add3A_36 : i32
    %lt3A_38 = arith.constant 2500 : i32
    %lt3A_39 = arith.cmpi slt, %add3A_37, %lt3A_38 : i32
    %convert_element_type3A_40 = arith.extui %lt3A_39 : i1 to i32
    %cond3A_41 = arith.constant 0 : i32
    %cond3A_42 = arith.cmpi ne, %convert_element_type3A_40, %cond3A_41 : i32
    scf.if %cond3A_42 {
      %sub3A = arith.constant 2499 : i32
      %sub3A_62 = arith.subi %sub3A, %mul3A_2 : i32
      %min3A = arith.constant 77 : i32
      %min3A_63 = arith.minsi %min3A, %sub3A_62 : i32
      %dma_wait3A = arith.constant 0 : i32
      %dma_wait3A_64 = tpu.memref_slice %arg5[%min3A_63, %dma_wait3A] : memref<80x128xi32, #tpu.memory_space<vmem>> -> memref<1x128xi32, #tpu.memory_space<vmem>>
      %dma_wait3A_65 = tpu.memref_squeeze %dma_wait3A_64 : memref<1x128xi32, #tpu.memory_space<vmem>> -> memref<128xi32, #tpu.memory_space<vmem>>
      %dma_wait3A_66 = arith.constant 0 : i32
      %dma_wait3A_67 = arith.constant 0 : i32
      %dma_wait3A_68 = tpu.memref_slice %arg4[%dma_wait3A_66, %dma_wait3A_67] : memref<10112x16xf32, #tpu.memory_space<vmem_shared>> -> memref<10112x16xf32, #tpu.memory_space<vmem_shared>>
      tpu.wait_indirect_dma semaphore(%arg8 : memref<!tpu.dma_semaphore, #tpu.memory_space<semaphore_mem>>) src(%arg6 : memref<128x16xf32, #tpu.memory_space<vmem>>) dst(%dma_wait3A_68 : memref<10112x16xf32, #tpu.memory_space<vmem_shared>>)
    } else {
    }
    %add3A_43 = arith.constant 2 : i32
    %add3A_44 = arith.addi %mul3A_2, %add3A_43 : i32
    %lt3A_45 = arith.constant 2500 : i32
    %lt3A_46 = arith.cmpi slt, %add3A_44, %lt3A_45 : i32
    %convert_element_type3A_47 = arith.extui %lt3A_46 : i1 to i32
    %cond3A_48 = arith.constant 0 : i32
    %cond3A_49 = arith.cmpi ne, %convert_element_type3A_47, %cond3A_48 : i32
    scf.if %cond3A_49 {
      %sub3A = arith.constant 2499 : i32
      %sub3A_62 = arith.subi %sub3A, %mul3A_2 : i32
      %min3A = arith.constant 78 : i32
      %min3A_63 = arith.minsi %min3A, %sub3A_62 : i32
      %dma_wait3A = arith.constant 0 : i32
      %dma_wait3A_64 = tpu.memref_slice %arg5[%min3A_63, %dma_wait3A] : memref<80x128xi32, #tpu.memory_space<vmem>> -> memref<1x128xi32, #tpu.memory_space<vmem>>
      %dma_wait3A_65 = tpu.memref_squeeze %dma_wait3A_64 : memref<1x128xi32, #tpu.memory_space<vmem>> -> memref<128xi32, #tpu.memory_space<vmem>>
      %dma_wait3A_66 = arith.constant 0 : i32
      %dma_wait3A_67 = arith.constant 0 : i32
      %dma_wait3A_68 = tpu.memref_slice %arg4[%dma_wait3A_66, %dma_wait3A_67] : memref<10112x16xf32, #tpu.memory_space<vmem_shared>> -> memref<10112x16xf32, #tpu.memory_space<vmem_shared>>
      tpu.wait_indirect_dma semaphore(%arg9 : memref<!tpu.dma_semaphore, #tpu.memory_space<semaphore_mem>>) src(%arg6 : memref<128x16xf32, #tpu.memory_space<vmem>>) dst(%dma_wait3A_68 : memref<10112x16xf32, #tpu.memory_space<vmem_shared>>)
    } else {
    }
    %add3A_50 = arith.constant 3 : i32
    %add3A_51 = arith.addi %mul3A_2, %add3A_50 : i32
    %lt3A_52 = arith.constant 2500 : i32
    %lt3A_53 = arith.cmpi slt, %add3A_51, %lt3A_52 : i32
    %convert_element_type3A_54 = arith.extui %lt3A_53 : i1 to i32
    %cond3A_55 = arith.constant 0 : i32
    %cond3A_56 = arith.cmpi ne, %convert_element_type3A_54, %cond3A_55 : i32
    scf.if %cond3A_56 {
      %sub3A = arith.constant 2499 : i32
      %sub3A_62 = arith.subi %sub3A, %mul3A_2 : i32
      %min3A = arith.constant 79 : i32
      %min3A_63 = arith.minsi %min3A, %sub3A_62 : i32
      %dma_wait3A = arith.constant 0 : i32
      %dma_wait3A_64 = tpu.memref_slice %arg5[%min3A_63, %dma_wait3A] : memref<80x128xi32, #tpu.memory_space<vmem>> -> memref<1x128xi32, #tpu.memory_space<vmem>>
      %dma_wait3A_65 = tpu.memref_squeeze %dma_wait3A_64 : memref<1x128xi32, #tpu.memory_space<vmem>> -> memref<128xi32, #tpu.memory_space<vmem>>
      %dma_wait3A_66 = arith.constant 0 : i32
      %dma_wait3A_67 = arith.constant 0 : i32
      %dma_wait3A_68 = tpu.memref_slice %arg4[%dma_wait3A_66, %dma_wait3A_67] : memref<10112x16xf32, #tpu.memory_space<vmem_shared>> -> memref<10112x16xf32, #tpu.memory_space<vmem_shared>>
      tpu.wait_indirect_dma semaphore(%arg10 : memref<!tpu.dma_semaphore, #tpu.memory_space<semaphore_mem>>) src(%arg6 : memref<128x16xf32, #tpu.memory_space<vmem>>) dst(%dma_wait3A_68 : memref<10112x16xf32, #tpu.memory_space<vmem_shared>>)
    } else {
    }
    %barrier3A_57 = arith.constant 0 : index
    tpu.barrier barrier_id(%barrier3A_57)
    %mul3A_58 = arith.constant 632 : i32
    %mul3A_59 = arith.muli %arg1, %mul3A_58 : i32
    %mul3A_60 = arith.constant 632 : i32
    %mul3A_61 = arith.muli %arg1, %mul3A_60 : i32
    "tpu.region"() ({
      %run_scoped3A = tpu.sem_alloc : memref<!tpu.dma_semaphore, #tpu.memory_space<semaphore_mem>>
      %dma_start3A = arith.constant 0 : i32
      %dma_start3A_62 = tpu.memref_slice %arg3[%arg0, %mul3A_61, %dma_start3A] : memref<2x10112x16xf32, #tpu.memory_space<hbm>> -> memref<1x632x16xf32, #tpu.memory_space<hbm>>
      %dma_start3A_63 = tpu.memref_squeeze %dma_start3A_62 : memref<1x632x16xf32, #tpu.memory_space<hbm>> -> memref<632x16xf32, #tpu.memory_space<hbm>>
      %dma_start3A_64 = arith.constant 0 : i32
      %dma_start3A_65 = tpu.memref_slice %arg4[%mul3A_59, %dma_start3A_64] : memref<10112x16xf32, #tpu.memory_space<vmem_shared>> -> memref<632x16xf32, #tpu.memory_space<vmem_shared>>
      tpu.enqueue_dma source(%dma_start3A_65 : memref<632x16xf32, #tpu.memory_space<vmem_shared>>) target(%dma_start3A_63 : memref<632x16xf32, #tpu.memory_space<hbm>>) target_semaphore(%run_scoped3A : memref<!tpu.dma_semaphore, #tpu.memory_space<semaphore_mem>>)
      %dma_wait3A = arith.constant 0 : i32
      %dma_wait3A_66 = tpu.memref_slice %arg3[%arg0, %mul3A_61, %dma_wait3A] : memref<2x10112x16xf32, #tpu.memory_space<hbm>> -> memref<1x632x16xf32, #tpu.memory_space<hbm>>
      %dma_wait3A_67 = tpu.memref_squeeze %dma_wait3A_66 : memref<1x632x16xf32, #tpu.memory_space<hbm>> -> memref<632x16xf32, #tpu.memory_space<hbm>>
      %dma_wait3A_68 = arith.constant 0 : i32
      %dma_wait3A_69 = tpu.memref_slice %arg4[%mul3A_59, %dma_wait3A_68] : memref<10112x16xf32, #tpu.memory_space<vmem_shared>> -> memref<632x16xf32, #tpu.memory_space<vmem_shared>>
      tpu.wait_dma2 semaphore(%run_scoped3A : memref<!tpu.dma_semaphore, #tpu.memory_space<semaphore_mem>>) src(%dma_wait3A_69 : memref<632x16xf32, #tpu.memory_space<vmem_shared>>) dst(%dma_wait3A_67 : memref<632x16xf32, #tpu.memory_space<hbm>>)
      tpu.yield
    }) : () -> ()
    return
  }
}

#map = affine_map<(d0, d1) -> (0, 0)>
#map1 = affine_map<(d0, d1) -> (0)>
#map2 = affine_map<(d0, d1) -> (0, 0, 0)>
module attributes {stable_mosaic.version = 14 : i64} {
  func.func @scatter_kernel(%arg0: i32, %arg1: i32, %arg2: memref<10000x128xf32, #tpu.memory_space<hbm>>, %arg3: memref<320000xi32, #tpu.memory_space<hbm>>, %arg4: memref<320000xi32, #tpu.memory_space<hbm>>, %arg5: memref<2x10112x128xf32, #tpu.memory_space<hbm>>, %arg6: memref<10112x128xf32, #tpu.memory_space<vmem_shared>>, %arg7: memref<128xi32, #tpu.memory_space<vmem>>, %arg8: memref<128xi32, #tpu.memory_space<vmem>>, %arg9: memref<128xi32, #tpu.memory_space<vmem>>, %arg10: memref<128xi32, #tpu.memory_space<vmem>>, %arg11: memref<128xi32, #tpu.memory_space<vmem>>, %arg12: memref<128xi32, #tpu.memory_space<vmem>>, %arg13: memref<128x128xf32, #tpu.memory_space<vmem>>, %arg14: memref<128x128xf32, #tpu.memory_space<vmem>>, %arg15: memref<128x128xf32, #tpu.memory_space<vmem>>, %arg16: memref<!tpu.dma_semaphore, #tpu.memory_space<semaphore_mem>>, %arg17: memref<!tpu.dma_semaphore, #tpu.memory_space<semaphore_mem>>, %arg18: memref<!tpu.dma_semaphore, #tpu.memory_space<semaphore_mem>>, %arg19: memref<!tpu.dma_semaphore, #tpu.memory_space<semaphore_mem>>, %arg20: memref<!tpu.dma_semaphore, #tpu.memory_space<semaphore_mem>>, %arg21: memref<!tpu.dma_semaphore, #tpu.memory_space<semaphore_mem>>, %arg22: memref<!tpu.dma_semaphore, #tpu.memory_space<semaphore_mem>>, %arg23: memref<!tpu.dma_semaphore, #tpu.memory_space<semaphore_mem>>, %arg24: memref<!tpu.dma_semaphore, #tpu.memory_space<semaphore_mem>>, %arg25: memref<!tpu.dma_semaphore, #tpu.memory_space<semaphore_mem>>, %arg26: memref<!tpu.dma_semaphore, #tpu.memory_space<semaphore_mem>>, %arg27: memref<!tpu.dma_semaphore, #tpu.memory_space<semaphore_mem>>) attributes {dimension_semantics = [#tpu.dimension_semantics<core_parallel>, #tpu.dimension_semantics<subcore_parallel>], iteration_bounds = array<i64: 2, 16>, scalar_prefetch = 0 : i64, scratch_operands = 22 : i64, tpu.core_type = #tpu.core_type<sc_vector_subcore>, window_params = [{transform_indices = #map}, {transform_indices = #map1}, {transform_indices = #map1}, {transform_indices = #map2}]} {
    %mul3A = arith.constant 2 : i32
    %mul3A_0 = arith.muli %arg1, %mul3A : i32
    %add3A = arith.addi %mul3A_0, %arg0 : i32
    %broadcast_in_dim3A = arith.constant 0.000000e+00 : f32
    %broadcast_in_dim3A_1 = vector.broadcast %broadcast_in_dim3A : f32 to vector<16xf32>
    %scan3A = arith.constant 0 : i32
    %scan3A_2 = arith.constant 128 : i32
    %scan3A_3 = arith.addi %scan3A, %scan3A_2 : i32
    %scan3A_4 = arith.constant 1 : i32
    scf.for %scan3A_46 = %scan3A to %scan3A_3 step %scan3A_4  : i32 {
      %mul3A_47 = arith.constant 1 : i32
      %mul3A_48 = arith.muli %scan3A_46, %mul3A_47 : i32
      %add3A_49 = arith.constant 0 : i32
      %add3A_50 = arith.addi %add3A_49, %mul3A_48 : i32
      %swap3A = arith.index_cast %add3A_50 : i32 to index
      %swap3A_51 = arith.constant 0 : index
      %swap3A_52 = tpu.vector_load %arg13[%swap3A, %swap3A_51] {strides = array<i32>} : memref<128x128xf32, #tpu.memory_space<vmem>>, vector<1x16xf32>,
      %swap3A_53 = vector.shape_cast %swap3A_52 : vector<1x16xf32> to vector<16xf32>
      %swap3A_54 = vector.shape_cast %broadcast_in_dim3A_1 : vector<16xf32> to vector<1x16xf32>
      tpu.vector_store %arg13[%swap3A, %swap3A_51], %swap3A_54 {strides = array<i32>} : memref<128x128xf32, #tpu.memory_space<vmem>>, vector<1x16xf32>,
      %swap3A_55 = arith.index_cast %add3A_50 : i32 to index
      %swap3A_56 = arith.constant 16 : index
      %swap3A_57 = tpu.vector_load %arg13[%swap3A_55, %swap3A_56] {strides = array<i32>} : memref<128x128xf32, #tpu.memory_space<vmem>>, vector<1x16xf32>,
      %swap3A_58 = vector.shape_cast %swap3A_57 : vector<1x16xf32> to vector<16xf32>
      %swap3A_59 = vector.shape_cast %broadcast_in_dim3A_1 : vector<16xf32> to vector<1x16xf32>
      tpu.vector_store %arg13[%swap3A_55, %swap3A_56], %swap3A_59 {strides = array<i32>} : memref<128x128xf32, #tpu.memory_space<vmem>>, vector<1x16xf32>,
      %swap3A_60 = arith.index_cast %add3A_50 : i32 to index
      %swap3A_61 = arith.constant 32 : index
      %swap3A_62 = tpu.vector_load %arg13[%swap3A_60, %swap3A_61] {strides = array<i32>} : memref<128x128xf32, #tpu.memory_space<vmem>>, vector<1x16xf32>,
      %swap3A_63 = vector.shape_cast %swap3A_62 : vector<1x16xf32> to vector<16xf32>
      %swap3A_64 = vector.shape_cast %broadcast_in_dim3A_1 : vector<16xf32> to vector<1x16xf32>
      tpu.vector_store %arg13[%swap3A_60, %swap3A_61], %swap3A_64 {strides = array<i32>} : memref<128x128xf32, #tpu.memory_space<vmem>>, vector<1x16xf32>,
      %swap3A_65 = arith.index_cast %add3A_50 : i32 to index
      %swap3A_66 = arith.constant 48 : index
      %swap3A_67 = tpu.vector_load %arg13[%swap3A_65, %swap3A_66] {strides = array<i32>} : memref<128x128xf32, #tpu.memory_space<vmem>>, vector<1x16xf32>,
      %swap3A_68 = vector.shape_cast %swap3A_67 : vector<1x16xf32> to vector<16xf32>
      %swap3A_69 = vector.shape_cast %broadcast_in_dim3A_1 : vector<16xf32> to vector<1x16xf32>
      tpu.vector_store %arg13[%swap3A_65, %swap3A_66], %swap3A_69 {strides = array<i32>} : memref<128x128xf32, #tpu.memory_space<vmem>>, vector<1x16xf32>,
      %swap3A_70 = arith.index_cast %add3A_50 : i32 to index
      %swap3A_71 = arith.constant 64 : index
      %swap3A_72 = tpu.vector_load %arg13[%swap3A_70, %swap3A_71] {strides = array<i32>} : memref<128x128xf32, #tpu.memory_space<vmem>>, vector<1x16xf32>,
      %swap3A_73 = vector.shape_cast %swap3A_72 : vector<1x16xf32> to vector<16xf32>
      %swap3A_74 = vector.shape_cast %broadcast_in_dim3A_1 : vector<16xf32> to vector<1x16xf32>
      tpu.vector_store %arg13[%swap3A_70, %swap3A_71], %swap3A_74 {strides = array<i32>} : memref<128x128xf32, #tpu.memory_space<vmem>>, vector<1x16xf32>,
      %swap3A_75 = arith.index_cast %add3A_50 : i32 to index
      %swap3A_76 = arith.constant 80 : index
      %swap3A_77 = tpu.vector_load %arg13[%swap3A_75, %swap3A_76] {strides = array<i32>} : memref<128x128xf32, #tpu.memory_space<vmem>>, vector<1x16xf32>,
      %swap3A_78 = vector.shape_cast %swap3A_77 : vector<1x16xf32> to vector<16xf32>
      %swap3A_79 = vector.shape_cast %broadcast_in_dim3A_1 : vector<16xf32> to vector<1x16xf32>
      tpu.vector_store %arg13[%swap3A_75, %swap3A_76], %swap3A_79 {strides = array<i32>} : memref<128x128xf32, #tpu.memory_space<vmem>>, vector<1x16xf32>,
      %swap3A_80 = arith.index_cast %add3A_50 : i32 to index
      %swap3A_81 = arith.constant 96 : index
      %swap3A_82 = tpu.vector_load %arg13[%swap3A_80, %swap3A_81] {strides = array<i32>} : memref<128x128xf32, #tpu.memory_space<vmem>>, vector<1x16xf32>,
      %swap3A_83 = vector.shape_cast %swap3A_82 : vector<1x16xf32> to vector<16xf32>
      %swap3A_84 = vector.shape_cast %broadcast_in_dim3A_1 : vector<16xf32> to vector<1x16xf32>
      tpu.vector_store %arg13[%swap3A_80, %swap3A_81], %swap3A_84 {strides = array<i32>} : memref<128x128xf32, #tpu.memory_space<vmem>>, vector<1x16xf32>,
      %swap3A_85 = arith.index_cast %add3A_50 : i32 to index
      %swap3A_86 = arith.constant 112 : index
      %swap3A_87 = tpu.vector_load %arg13[%swap3A_85, %swap3A_86] {strides = array<i32>} : memref<128x128xf32, #tpu.memory_space<vmem>>, vector<1x16xf32>,
      %swap3A_88 = vector.shape_cast %swap3A_87 : vector<1x16xf32> to vector<16xf32>
      %swap3A_89 = vector.shape_cast %broadcast_in_dim3A_1 : vector<16xf32> to vector<1x16xf32>
      tpu.vector_store %arg13[%swap3A_85, %swap3A_86], %swap3A_89 {strides = array<i32>} : memref<128x128xf32, #tpu.memory_space<vmem>>, vector<1x16xf32>,
    }
    %scan3A_5 = arith.constant 128 : i32
    %mul3A_6 = arith.constant 632 : i32
    %mul3A_7 = arith.muli %arg1, %mul3A_6 : i32
    %add3A_8 = arith.constant 0 : i32
    %add3A_9 = arith.addi %mul3A_7, %add3A_8 : i32
    "tpu.region"() ({
      %run_scoped3A = tpu.sem_alloc : memref<!tpu.dma_semaphore, #tpu.memory_space<semaphore_mem>>
      %dma_start3A = arith.constant 0 : i32
      %dma_start3A_46 = tpu.memref_slice %arg6[%add3A_9, %dma_start3A] : memref<10112x128xf32, #tpu.memory_space<vmem_shared>> -> memref<128x128xf32, #tpu.memory_space<vmem_shared>>
      %dma_start3A_47 = arith.constant 0 : i32
      %dma_start3A_48 = tpu.memref_slice %arg6[%add3A_9, %dma_start3A_47] : memref<10112x128xf32, #tpu.memory_space<vmem_shared>> -> memref<128x128xf32, #tpu.memory_space<vmem_shared>>
      tpu.enqueue_dma source(%arg13 : memref<128x128xf32, #tpu.memory_space<vmem>>) target(%dma_start3A_48 : memref<128x128xf32, #tpu.memory_space<vmem_shared>>) target_semaphore(%run_scoped3A : memref<!tpu.dma_semaphore, #tpu.memory_space<semaphore_mem>>)
      %dma_wait3A = arith.constant 0 : i32
      %dma_wait3A_49 = tpu.memref_slice %arg6[%add3A_9, %dma_wait3A] : memref<10112x128xf32, #tpu.memory_space<vmem_shared>> -> memref<128x128xf32, #tpu.memory_space<vmem_shared>>
      %dma_wait3A_50 = arith.constant 0 : i32
      %dma_wait3A_51 = tpu.memref_slice %arg6[%add3A_9, %dma_wait3A_50] : memref<10112x128xf32, #tpu.memory_space<vmem_shared>> -> memref<128x128xf32, #tpu.memory_space<vmem_shared>>
      tpu.wait_dma2 semaphore(%run_scoped3A : memref<!tpu.dma_semaphore, #tpu.memory_space<semaphore_mem>>) src(%arg13 : memref<128x128xf32, #tpu.memory_space<vmem>>) dst(%dma_wait3A_51 : memref<128x128xf32, #tpu.memory_space<vmem_shared>>)
      tpu.yield
    }) : () -> ()
    %add3A_10 = arith.constant 128 : i32
    %add3A_11 = arith.addi %mul3A_7, %add3A_10 : i32
    "tpu.region"() ({
      %run_scoped3A = tpu.sem_alloc : memref<!tpu.dma_semaphore, #tpu.memory_space<semaphore_mem>>
      %dma_start3A = arith.constant 0 : i32
      %dma_start3A_46 = tpu.memref_slice %arg6[%add3A_11, %dma_start3A] : memref<10112x128xf32, #tpu.memory_space<vmem_shared>> -> memref<128x128xf32, #tpu.memory_space<vmem_shared>>
      %dma_start3A_47 = arith.constant 0 : i32
      %dma_start3A_48 = tpu.memref_slice %arg6[%add3A_11, %dma_start3A_47] : memref<10112x128xf32, #tpu.memory_space<vmem_shared>> -> memref<128x128xf32, #tpu.memory_space<vmem_shared>>
      tpu.enqueue_dma source(%arg13 : memref<128x128xf32, #tpu.memory_space<vmem>>) target(%dma_start3A_48 : memref<128x128xf32, #tpu.memory_space<vmem_shared>>) target_semaphore(%run_scoped3A : memref<!tpu.dma_semaphore, #tpu.memory_space<semaphore_mem>>)
      %dma_wait3A = arith.constant 0 : i32
      %dma_wait3A_49 = tpu.memref_slice %arg6[%add3A_11, %dma_wait3A] : memref<10112x128xf32, #tpu.memory_space<vmem_shared>> -> memref<128x128xf32, #tpu.memory_space<vmem_shared>>
      %dma_wait3A_50 = arith.constant 0 : i32
      %dma_wait3A_51 = tpu.memref_slice %arg6[%add3A_11, %dma_wait3A_50] : memref<10112x128xf32, #tpu.memory_space<vmem_shared>> -> memref<128x128xf32, #tpu.memory_space<vmem_shared>>
      tpu.wait_dma2 semaphore(%run_scoped3A : memref<!tpu.dma_semaphore, #tpu.memory_space<semaphore_mem>>) src(%arg13 : memref<128x128xf32, #tpu.memory_space<vmem>>) dst(%dma_wait3A_51 : memref<128x128xf32, #tpu.memory_space<vmem_shared>>)
      tpu.yield
    }) : () -> ()
    %add3A_12 = arith.constant 256 : i32
    %add3A_13 = arith.addi %mul3A_7, %add3A_12 : i32
    "tpu.region"() ({
      %run_scoped3A = tpu.sem_alloc : memref<!tpu.dma_semaphore, #tpu.memory_space<semaphore_mem>>
      %dma_start3A = arith.constant 0 : i32
      %dma_start3A_46 = tpu.memref_slice %arg6[%add3A_13, %dma_start3A] : memref<10112x128xf32, #tpu.memory_space<vmem_shared>> -> memref<128x128xf32, #tpu.memory_space<vmem_shared>>
      %dma_start3A_47 = arith.constant 0 : i32
      %dma_start3A_48 = tpu.memref_slice %arg6[%add3A_13, %dma_start3A_47] : memref<10112x128xf32, #tpu.memory_space<vmem_shared>> -> memref<128x128xf32, #tpu.memory_space<vmem_shared>>
      tpu.enqueue_dma source(%arg13 : memref<128x128xf32, #tpu.memory_space<vmem>>) target(%dma_start3A_48 : memref<128x128xf32, #tpu.memory_space<vmem_shared>>) target_semaphore(%run_scoped3A : memref<!tpu.dma_semaphore, #tpu.memory_space<semaphore_mem>>)
      %dma_wait3A = arith.constant 0 : i32
      %dma_wait3A_49 = tpu.memref_slice %arg6[%add3A_13, %dma_wait3A] : memref<10112x128xf32, #tpu.memory_space<vmem_shared>> -> memref<128x128xf32, #tpu.memory_space<vmem_shared>>
      %dma_wait3A_50 = arith.constant 0 : i32
      %dma_wait3A_51 = tpu.memref_slice %arg6[%add3A_13, %dma_wait3A_50] : memref<10112x128xf32, #tpu.memory_space<vmem_shared>> -> memref<128x128xf32, #tpu.memory_space<vmem_shared>>
      tpu.wait_dma2 semaphore(%run_scoped3A : memref<!tpu.dma_semaphore, #tpu.memory_space<semaphore_mem>>) src(%arg13 : memref<128x128xf32, #tpu.memory_space<vmem>>) dst(%dma_wait3A_51 : memref<128x128xf32, #tpu.memory_space<vmem_shared>>)
      tpu.yield
    }) : () -> ()
    %add3A_14 = arith.constant 384 : i32
    %add3A_15 = arith.addi %mul3A_7, %add3A_14 : i32
    "tpu.region"() ({
      %run_scoped3A = tpu.sem_alloc : memref<!tpu.dma_semaphore, #tpu.memory_space<semaphore_mem>>
      %dma_start3A = arith.constant 0 : i32
      %dma_start3A_46 = tpu.memref_slice %arg6[%add3A_15, %dma_start3A] : memref<10112x128xf32, #tpu.memory_space<vmem_shared>> -> memref<128x128xf32, #tpu.memory_space<vmem_shared>>
      %dma_start3A_47 = arith.constant 0 : i32
      %dma_start3A_48 = tpu.memref_slice %arg6[%add3A_15, %dma_start3A_47] : memref<10112x128xf32, #tpu.memory_space<vmem_shared>> -> memref<128x128xf32, #tpu.memory_space<vmem_shared>>
      tpu.enqueue_dma source(%arg13 : memref<128x128xf32, #tpu.memory_space<vmem>>) target(%dma_start3A_48 : memref<128x128xf32, #tpu.memory_space<vmem_shared>>) target_semaphore(%run_scoped3A : memref<!tpu.dma_semaphore, #tpu.memory_space<semaphore_mem>>)
      %dma_wait3A = arith.constant 0 : i32
      %dma_wait3A_49 = tpu.memref_slice %arg6[%add3A_15, %dma_wait3A] : memref<10112x128xf32, #tpu.memory_space<vmem_shared>> -> memref<128x128xf32, #tpu.memory_space<vmem_shared>>
      %dma_wait3A_50 = arith.constant 0 : i32
      %dma_wait3A_51 = tpu.memref_slice %arg6[%add3A_15, %dma_wait3A_50] : memref<10112x128xf32, #tpu.memory_space<vmem_shared>> -> memref<128x128xf32, #tpu.memory_space<vmem_shared>>
      tpu.wait_dma2 semaphore(%run_scoped3A : memref<!tpu.dma_semaphore, #tpu.memory_space<semaphore_mem>>) src(%arg13 : memref<128x128xf32, #tpu.memory_space<vmem>>) dst(%dma_wait3A_51 : memref<128x128xf32, #tpu.memory_space<vmem_shared>>)
      tpu.yield
    }) : () -> ()
    %add3A_16 = arith.constant 512 : i32
    %add3A_17 = arith.addi %mul3A_7, %add3A_16 : i32
    "tpu.region"() ({
      %run_scoped3A = tpu.sem_alloc : memref<!tpu.dma_semaphore, #tpu.memory_space<semaphore_mem>>
      %dma_start3A = arith.constant 0 : i32
      %dma_start3A_46 = arith.constant 0 : i32
      %dma_start3A_47 = tpu.memref_slice %arg13[%dma_start3A, %dma_start3A_46] : memref<128x128xf32, #tpu.memory_space<vmem>> -> memref<120x128xf32, #tpu.memory_space<vmem>>
      %dma_start3A_48 = arith.constant 0 : i32
      %dma_start3A_49 = tpu.memref_slice %arg6[%add3A_17, %dma_start3A_48] : memref<10112x128xf32, #tpu.memory_space<vmem_shared>> -> memref<120x128xf32, #tpu.memory_space<vmem_shared>>
      %dma_start3A_50 = arith.constant 0 : i32
      %dma_start3A_51 = tpu.memref_slice %arg6[%add3A_17, %dma_start3A_50] : memref<10112x128xf32, #tpu.memory_space<vmem_shared>> -> memref<120x128xf32, #tpu.memory_space<vmem_shared>>
      %dma_start3A_52 = arith.constant 0 : i32
      %dma_start3A_53 = arith.constant 0 : i32
      %dma_start3A_54 = tpu.memref_slice %arg13[%dma_start3A_52, %dma_start3A_53] : memref<128x128xf32, #tpu.memory_space<vmem>> -> memref<120x128xf32, #tpu.memory_space<vmem>>
      tpu.enqueue_dma source(%dma_start3A_54 : memref<120x128xf32, #tpu.memory_space<vmem>>) target(%dma_start3A_51 : memref<120x128xf32, #tpu.memory_space<vmem_shared>>) target_semaphore(%run_scoped3A : memref<!tpu.dma_semaphore, #tpu.memory_space<semaphore_mem>>)
      %dma_wait3A = arith.constant 0 : i32
      %dma_wait3A_55 = arith.constant 0 : i32
      %dma_wait3A_56 = tpu.memref_slice %arg13[%dma_wait3A, %dma_wait3A_55] : memref<128x128xf32, #tpu.memory_space<vmem>> -> memref<120x128xf32, #tpu.memory_space<vmem>>
      %dma_wait3A_57 = arith.constant 0 : i32
      %dma_wait3A_58 = tpu.memref_slice %arg6[%add3A_17, %dma_wait3A_57] : memref<10112x128xf32, #tpu.memory_space<vmem_shared>> -> memref<120x128xf32, #tpu.memory_space<vmem_shared>>
      %dma_wait3A_59 = arith.constant 0 : i32
      %dma_wait3A_60 = tpu.memref_slice %arg6[%add3A_17, %dma_wait3A_59] : memref<10112x128xf32, #tpu.memory_space<vmem_shared>> -> memref<120x128xf32, #tpu.memory_space<vmem_shared>>
      %dma_wait3A_61 = arith.constant 0 : i32
      %dma_wait3A_62 = arith.constant 0 : i32
      %dma_wait3A_63 = tpu.memref_slice %arg13[%dma_wait3A_61, %dma_wait3A_62] : memref<128x128xf32, #tpu.memory_space<vmem>> -> memref<120x128xf32, #tpu.memory_space<vmem>>
      tpu.wait_dma2 semaphore(%run_scoped3A : memref<!tpu.dma_semaphore, #tpu.memory_space<semaphore_mem>>) src(%dma_wait3A_63 : memref<120x128xf32, #tpu.memory_space<vmem>>) dst(%dma_wait3A_60 : memref<120x128xf32, #tpu.memory_space<vmem_shared>>)
      tpu.yield
    }) : () -> ()
    %barrier3A = arith.constant 0 : index
    tpu.barrier barrier_id(%barrier3A)
    %scan3A_18 = arith.constant 0 : i32
    %scan3A_19 = arith.constant 27 : i32
    %scan3A_20 = arith.addi %scan3A_18, %scan3A_19 : i32
    %scan3A_21 = arith.constant 1 : i32
    scf.for %scan3A_46 = %scan3A_18 to %scan3A_20 step %scan3A_21  : i32 {
      %mul3A_47 = arith.constant 1 : i32
      %mul3A_48 = arith.muli %scan3A_46, %mul3A_47 : i32
      %add3A_49 = arith.constant 0 : i32
      %add3A_50 = arith.addi %add3A_49, %mul3A_48 : i32
      %mul3A_51 = arith.constant 3 : i32
      %mul3A_52 = arith.muli %add3A_50, %mul3A_51 : i32
      %add3A_53 = arith.constant 0 : i32
      %add3A_54 = arith.addi %mul3A_52, %add3A_53 : i32
      %mul3A_55 = arith.constant 32 : i32
      %mul3A_56 = arith.muli %add3A_54, %mul3A_55 : i32
      %add3A_57 = arith.addi %mul3A_56, %add3A : i32
      %lt3A_58 = arith.constant 2500 : i32
      %lt3A_59 = arith.cmpi slt, %add3A_57, %lt3A_58 : i32
      %convert_element_type3A_60 = arith.extui %lt3A_59 : i1 to i32
      %cond3A_61 = arith.constant 0 : i32
      %cond3A_62 = arith.cmpi ne, %convert_element_type3A_60, %cond3A_61 : i32
      scf.if %cond3A_62 {
        %gt3A = arith.constant 0 : i32
        %gt3A_159 = arith.cmpi sgt, %add3A_50, %gt3A : i32
        %convert_element_type3A_160 = arith.extui %gt3A_159 : i1 to i32
        %cond3A_161 = arith.constant 0 : i32
        %cond3A_162 = arith.cmpi ne, %convert_element_type3A_160, %cond3A_161 : i32
        scf.if %cond3A_162 {
          %dma_wait3A = arith.constant 0 : i32
          %dma_wait3A_170 = arith.constant 0 : i32
          %dma_wait3A_171 = tpu.memref_slice %arg6[%dma_wait3A, %dma_wait3A_170] : memref<10112x128xf32, #tpu.memory_space<vmem_shared>> -> memref<10112x128xf32, #tpu.memory_space<vmem_shared>>
          tpu.wait_indirect_dma semaphore(%arg25 : memref<!tpu.dma_semaphore, #tpu.memory_space<semaphore_mem>>) src(%arg13 : memref<128x128xf32, #tpu.memory_space<vmem>>) dst(%dma_wait3A_171 : memref<10112x128xf32, #tpu.memory_space<vmem_shared>>)
        } else {
        }
        %mul3A_163 = arith.constant 128 : i32
        %mul3A_164 = arith.muli %add3A_57, %mul3A_163 : i32
        %dma_start3A = tpu.memref_slice %arg3[%mul3A_164] : memref<320000xi32, #tpu.memory_space<hbm>> -> memref<128xi32, #tpu.memory_space<hbm>>
        %dma_start3A_165 = tpu.memref_slice %arg3[%mul3A_164] : memref<320000xi32, #tpu.memory_space<hbm>> -> memref<128xi32, #tpu.memory_space<hbm>>
        tpu.enqueue_dma source(%dma_start3A_165 : memref<128xi32, #tpu.memory_space<hbm>>) target(%arg7 : memref<128xi32, #tpu.memory_space<vmem>>) target_semaphore(%arg16 : memref<!tpu.dma_semaphore, #tpu.memory_space<semaphore_mem>>)
        %mul3A_166 = arith.constant 128 : i32
        %mul3A_167 = arith.muli %add3A_57, %mul3A_166 : i32
        %dma_start3A_168 = tpu.memref_slice %arg4[%mul3A_167] : memref<320000xi32, #tpu.memory_space<hbm>> -> memref<128xi32, #tpu.memory_space<hbm>>
        %dma_start3A_169 = tpu.memref_slice %arg4[%mul3A_167] : memref<320000xi32, #tpu.memory_space<hbm>> -> memref<128xi32, #tpu.memory_space<hbm>>
        tpu.enqueue_dma source(%dma_start3A_169 : memref<128xi32, #tpu.memory_space<hbm>>) target(%arg10 : memref<128xi32, #tpu.memory_space<vmem>>) target_semaphore(%arg19 : memref<!tpu.dma_semaphore, #tpu.memory_space<semaphore_mem>>)
      } else {
      }
      %mul3A_63 = arith.constant 3 : i32
      %mul3A_64 = arith.muli %add3A_50, %mul3A_63 : i32
      %add3A_65 = arith.constant 1 : i32
      %add3A_66 = arith.addi %mul3A_64, %add3A_65 : i32
      %mul3A_67 = arith.constant 32 : i32
      %mul3A_68 = arith.muli %add3A_66, %mul3A_67 : i32
      %add3A_69 = arith.addi %mul3A_68, %add3A : i32
      %lt3A_70 = arith.constant 2500 : i32
      %lt3A_71 = arith.cmpi slt, %add3A_69, %lt3A_70 : i32
      %convert_element_type3A_72 = arith.extui %lt3A_71 : i1 to i32
      %cond3A_73 = arith.constant 0 : i32
      %cond3A_74 = arith.cmpi ne, %convert_element_type3A_72, %cond3A_73 : i32
      scf.if %cond3A_74 {
        %gt3A = arith.constant 0 : i32
        %gt3A_159 = arith.cmpi sgt, %add3A_50, %gt3A : i32
        %convert_element_type3A_160 = arith.extui %gt3A_159 : i1 to i32
        %cond3A_161 = arith.constant 0 : i32
        %cond3A_162 = arith.cmpi ne, %convert_element_type3A_160, %cond3A_161 : i32
        scf.if %cond3A_162 {
          %dma_wait3A = arith.constant 0 : i32
          %dma_wait3A_170 = arith.constant 0 : i32
          %dma_wait3A_171 = tpu.memref_slice %arg6[%dma_wait3A, %dma_wait3A_170] : memref<10112x128xf32, #tpu.memory_space<vmem_shared>> -> memref<10112x128xf32, #tpu.memory_space<vmem_shared>>
          tpu.wait_indirect_dma semaphore(%arg26 : memref<!tpu.dma_semaphore, #tpu.memory_space<semaphore_mem>>) src(%arg14 : memref<128x128xf32, #tpu.memory_space<vmem>>) dst(%dma_wait3A_171 : memref<10112x128xf32, #tpu.memory_space<vmem_shared>>)
        } else {
        }
        %mul3A_163 = arith.constant 128 : i32
        %mul3A_164 = arith.muli %add3A_69, %mul3A_163 : i32
        %dma_start3A = tpu.memref_slice %arg3[%mul3A_164] : memref<320000xi32, #tpu.memory_space<hbm>> -> memref<128xi32, #tpu.memory_space<hbm>>
        %dma_start3A_165 = tpu.memref_slice %arg3[%mul3A_164] : memref<320000xi32, #tpu.memory_space<hbm>> -> memref<128xi32, #tpu.memory_space<hbm>>
        tpu.enqueue_dma source(%dma_start3A_165 : memref<128xi32, #tpu.memory_space<hbm>>) target(%arg8 : memref<128xi32, #tpu.memory_space<vmem>>) target_semaphore(%arg17 : memref<!tpu.dma_semaphore, #tpu.memory_space<semaphore_mem>>)
        %mul3A_166 = arith.constant 128 : i32
        %mul3A_167 = arith.muli %add3A_69, %mul3A_166 : i32
        %dma_start3A_168 = tpu.memref_slice %arg4[%mul3A_167] : memref<320000xi32, #tpu.memory_space<hbm>> -> memref<128xi32, #tpu.memory_space<hbm>>
        %dma_start3A_169 = tpu.memref_slice %arg4[%mul3A_167] : memref<320000xi32, #tpu.memory_space<hbm>> -> memref<128xi32, #tpu.memory_space<hbm>>
        tpu.enqueue_dma source(%dma_start3A_169 : memref<128xi32, #tpu.memory_space<hbm>>) target(%arg11 : memref<128xi32, #tpu.memory_space<vmem>>) target_semaphore(%arg20 : memref<!tpu.dma_semaphore, #tpu.memory_space<semaphore_mem>>)
      } else {
      }
      %mul3A_75 = arith.constant 3 : i32
      %mul3A_76 = arith.muli %add3A_50, %mul3A_75 : i32
      %add3A_77 = arith.constant 2 : i32
      %add3A_78 = arith.addi %mul3A_76, %add3A_77 : i32
      %mul3A_79 = arith.constant 32 : i32
      %mul3A_80 = arith.muli %add3A_78, %mul3A_79 : i32
      %add3A_81 = arith.addi %mul3A_80, %add3A : i32
      %lt3A_82 = arith.constant 2500 : i32
      %lt3A_83 = arith.cmpi slt, %add3A_81, %lt3A_82 : i32
      %convert_element_type3A_84 = arith.extui %lt3A_83 : i1 to i32
      %cond3A_85 = arith.constant 0 : i32
      %cond3A_86 = arith.cmpi ne, %convert_element_type3A_84, %cond3A_85 : i32
      scf.if %cond3A_86 {
        %gt3A = arith.constant 0 : i32
        %gt3A_159 = arith.cmpi sgt, %add3A_50, %gt3A : i32
        %convert_element_type3A_160 = arith.extui %gt3A_159 : i1 to i32
        %cond3A_161 = arith.constant 0 : i32
        %cond3A_162 = arith.cmpi ne, %convert_element_type3A_160, %cond3A_161 : i32
        scf.if %cond3A_162 {
          %dma_wait3A = arith.constant 0 : i32
          %dma_wait3A_170 = arith.constant 0 : i32
          %dma_wait3A_171 = tpu.memref_slice %arg6[%dma_wait3A, %dma_wait3A_170] : memref<10112x128xf32, #tpu.memory_space<vmem_shared>> -> memref<10112x128xf32, #tpu.memory_space<vmem_shared>>
          tpu.wait_indirect_dma semaphore(%arg27 : memref<!tpu.dma_semaphore, #tpu.memory_space<semaphore_mem>>) src(%arg15 : memref<128x128xf32, #tpu.memory_space<vmem>>) dst(%dma_wait3A_171 : memref<10112x128xf32, #tpu.memory_space<vmem_shared>>)
        } else {
        }
        %mul3A_163 = arith.constant 128 : i32
        %mul3A_164 = arith.muli %add3A_81, %mul3A_163 : i32
        %dma_start3A = tpu.memref_slice %arg3[%mul3A_164] : memref<320000xi32, #tpu.memory_space<hbm>> -> memref<128xi32, #tpu.memory_space<hbm>>
        %dma_start3A_165 = tpu.memref_slice %arg3[%mul3A_164] : memref<320000xi32, #tpu.memory_space<hbm>> -> memref<128xi32, #tpu.memory_space<hbm>>
        tpu.enqueue_dma source(%dma_start3A_165 : memref<128xi32, #tpu.memory_space<hbm>>) target(%arg9 : memref<128xi32, #tpu.memory_space<vmem>>) target_semaphore(%arg18 : memref<!tpu.dma_semaphore, #tpu.memory_space<semaphore_mem>>)
        %mul3A_166 = arith.constant 128 : i32
        %mul3A_167 = arith.muli %add3A_81, %mul3A_166 : i32
        %dma_start3A_168 = tpu.memref_slice %arg4[%mul3A_167] : memref<320000xi32, #tpu.memory_space<hbm>> -> memref<128xi32, #tpu.memory_space<hbm>>
        %dma_start3A_169 = tpu.memref_slice %arg4[%mul3A_167] : memref<320000xi32, #tpu.memory_space<hbm>> -> memref<128xi32, #tpu.memory_space<hbm>>
        tpu.enqueue_dma source(%dma_start3A_169 : memref<128xi32, #tpu.memory_space<hbm>>) target(%arg12 : memref<128xi32, #tpu.memory_space<vmem>>) target_semaphore(%arg21 : memref<!tpu.dma_semaphore, #tpu.memory_space<semaphore_mem>>)
      } else {
      }
      %mul3A_87 = arith.constant 3 : i32
      %mul3A_88 = arith.muli %add3A_50, %mul3A_87 : i32
      %add3A_89 = arith.constant 0 : i32
      %add3A_90 = arith.addi %mul3A_88, %add3A_89 : i32
      %mul3A_91 = arith.constant 32 : i32
      %mul3A_92 = arith.muli %add3A_90, %mul3A_91 : i32
      %add3A_93 = arith.addi %mul3A_92, %add3A : i32
      %lt3A_94 = arith.constant 2500 : i32
      %lt3A_95 = arith.cmpi slt, %add3A_93, %lt3A_94 : i32
      %convert_element_type3A_96 = arith.extui %lt3A_95 : i1 to i32
      %cond3A_97 = arith.constant 0 : i32
      %cond3A_98 = arith.cmpi ne, %convert_element_type3A_96, %cond3A_97 : i32
      scf.if %cond3A_98 {
        %mul3A_159 = arith.constant 128 : i32
        %mul3A_160 = arith.muli %add3A_93, %mul3A_159 : i32
        %dma_wait3A = tpu.memref_slice %arg3[%mul3A_160] : memref<320000xi32, #tpu.memory_space<hbm>> -> memref<128xi32, #tpu.memory_space<hbm>>
        %dma_wait3A_161 = tpu.memref_slice %arg3[%mul3A_160] : memref<320000xi32, #tpu.memory_space<hbm>> -> memref<128xi32, #tpu.memory_space<hbm>>
        tpu.wait_dma2 semaphore(%arg16 : memref<!tpu.dma_semaphore, #tpu.memory_space<semaphore_mem>>) src(%dma_wait3A_161 : memref<128xi32, #tpu.memory_space<hbm>>) dst(%arg7 : memref<128xi32, #tpu.memory_space<vmem>>)
        %dma_start3A = arith.constant 0 : i32
        %dma_start3A_162 = arith.constant 0 : i32
        %dma_start3A_163 = tpu.memref_slice %arg2[%dma_start3A, %dma_start3A_162] : memref<10000x128xf32, #tpu.memory_space<hbm>> -> memref<10000x128xf32, #tpu.memory_space<hbm>>
        tpu.enqueue_indirect_dma source(%dma_start3A_163 : memref<10000x128xf32, #tpu.memory_space<hbm>>) target(%arg13 : memref<128x128xf32, #tpu.memory_space<vmem>>) offsets(%arg7 : memref<128xi32, #tpu.memory_space<vmem>>) semaphore(%arg22 : memref<!tpu.dma_semaphore, #tpu.memory_space<semaphore_mem>>)
      } else {
      }
      %mul3A_99 = arith.constant 3 : i32
      %mul3A_100 = arith.muli %add3A_50, %mul3A_99 : i32
      %add3A_101 = arith.constant 1 : i32
      %add3A_102 = arith.addi %mul3A_100, %add3A_101 : i32
      %mul3A_103 = arith.constant 32 : i32
      %mul3A_104 = arith.muli %add3A_102, %mul3A_103 : i32
      %add3A_105 = arith.addi %mul3A_104, %add3A : i32
      %lt3A_106 = arith.constant 2500 : i32
      %lt3A_107 = arith.cmpi slt, %add3A_105, %lt3A_106 : i32
      %convert_element_type3A_108 = arith.extui %lt3A_107 : i1 to i32
      %cond3A_109 = arith.constant 0 : i32
      %cond3A_110 = arith.cmpi ne, %convert_element_type3A_108, %cond3A_109 : i32
      scf.if %cond3A_110 {
        %mul3A_159 = arith.constant 128 : i32
        %mul3A_160 = arith.muli %add3A_105, %mul3A_159 : i32
        %dma_wait3A = tpu.memref_slice %arg3[%mul3A_160] : memref<320000xi32, #tpu.memory_space<hbm>> -> memref<128xi32, #tpu.memory_space<hbm>>
        %dma_wait3A_161 = tpu.memref_slice %arg3[%mul3A_160] : memref<320000xi32, #tpu.memory_space<hbm>> -> memref<128xi32, #tpu.memory_space<hbm>>
        tpu.wait_dma2 semaphore(%arg17 : memref<!tpu.dma_semaphore, #tpu.memory_space<semaphore_mem>>) src(%dma_wait3A_161 : memref<128xi32, #tpu.memory_space<hbm>>) dst(%arg8 : memref<128xi32, #tpu.memory_space<vmem>>)
        %dma_start3A = arith.constant 0 : i32
        %dma_start3A_162 = arith.constant 0 : i32
        %dma_start3A_163 = tpu.memref_slice %arg2[%dma_start3A, %dma_start3A_162] : memref<10000x128xf32, #tpu.memory_space<hbm>> -> memref<10000x128xf32, #tpu.memory_space<hbm>>
        tpu.enqueue_indirect_dma source(%dma_start3A_163 : memref<10000x128xf32, #tpu.memory_space<hbm>>) target(%arg14 : memref<128x128xf32, #tpu.memory_space<vmem>>) offsets(%arg8 : memref<128xi32, #tpu.memory_space<vmem>>) semaphore(%arg23 : memref<!tpu.dma_semaphore, #tpu.memory_space<semaphore_mem>>)
      } else {
      }
      %mul3A_111 = arith.constant 3 : i32
      %mul3A_112 = arith.muli %add3A_50, %mul3A_111 : i32
      %add3A_113 = arith.constant 2 : i32
      %add3A_114 = arith.addi %mul3A_112, %add3A_113 : i32
      %mul3A_115 = arith.constant 32 : i32
      %mul3A_116 = arith.muli %add3A_114, %mul3A_115 : i32
      %add3A_117 = arith.addi %mul3A_116, %add3A : i32
      %lt3A_118 = arith.constant 2500 : i32
      %lt3A_119 = arith.cmpi slt, %add3A_117, %lt3A_118 : i32
      %convert_element_type3A_120 = arith.extui %lt3A_119 : i1 to i32
      %cond3A_121 = arith.constant 0 : i32
      %cond3A_122 = arith.cmpi ne, %convert_element_type3A_120, %cond3A_121 : i32
      scf.if %cond3A_122 {
        %mul3A_159 = arith.constant 128 : i32
        %mul3A_160 = arith.muli %add3A_117, %mul3A_159 : i32
        %dma_wait3A = tpu.memref_slice %arg3[%mul3A_160] : memref<320000xi32, #tpu.memory_space<hbm>> -> memref<128xi32, #tpu.memory_space<hbm>>
        %dma_wait3A_161 = tpu.memref_slice %arg3[%mul3A_160] : memref<320000xi32, #tpu.memory_space<hbm>> -> memref<128xi32, #tpu.memory_space<hbm>>
        tpu.wait_dma2 semaphore(%arg18 : memref<!tpu.dma_semaphore, #tpu.memory_space<semaphore_mem>>) src(%dma_wait3A_161 : memref<128xi32, #tpu.memory_space<hbm>>) dst(%arg9 : memref<128xi32, #tpu.memory_space<vmem>>)
        %dma_start3A = arith.constant 0 : i32
        %dma_start3A_162 = arith.constant 0 : i32
        %dma_start3A_163 = tpu.memref_slice %arg2[%dma_start3A, %dma_start3A_162] : memref<10000x128xf32, #tpu.memory_space<hbm>> -> memref<10000x128xf32, #tpu.memory_space<hbm>>
        tpu.enqueue_indirect_dma source(%dma_start3A_163 : memref<10000x128xf32, #tpu.memory_space<hbm>>) target(%arg15 : memref<128x128xf32, #tpu.memory_space<vmem>>) offsets(%arg9 : memref<128xi32, #tpu.memory_space<vmem>>) semaphore(%arg24 : memref<!tpu.dma_semaphore, #tpu.memory_space<semaphore_mem>>)
      } else {
      }
      %mul3A_123 = arith.constant 3 : i32
      %mul3A_124 = arith.muli %add3A_50, %mul3A_123 : i32
      %add3A_125 = arith.constant 0 : i32
      %add3A_126 = arith.addi %mul3A_124, %add3A_125 : i32
      %mul3A_127 = arith.constant 32 : i32
      %mul3A_128 = arith.muli %add3A_126, %mul3A_127 : i32
      %add3A_129 = arith.addi %mul3A_128, %add3A : i32
      %lt3A_130 = arith.constant 2500 : i32
      %lt3A_131 = arith.cmpi slt, %add3A_129, %lt3A_130 : i32
      %convert_element_type3A_132 = arith.extui %lt3A_131 : i1 to i32
      %cond3A_133 = arith.constant 0 : i32
      %cond3A_134 = arith.cmpi ne, %convert_element_type3A_132, %cond3A_133 : i32
      scf.if %cond3A_134 {
        %dma_wait3A = arith.constant 0 : i32
        %dma_wait3A_159 = arith.constant 0 : i32
        %dma_wait3A_160 = tpu.memref_slice %arg2[%dma_wait3A, %dma_wait3A_159] : memref<10000x128xf32, #tpu.memory_space<hbm>> -> memref<10000x128xf32, #tpu.memory_space<hbm>>
        tpu.wait_indirect_dma semaphore(%arg22 : memref<!tpu.dma_semaphore, #tpu.memory_space<semaphore_mem>>) src(%dma_wait3A_160 : memref<10000x128xf32, #tpu.memory_space<hbm>>) dst(%arg13 : memref<128x128xf32, #tpu.memory_space<vmem>>)
        %mul3A_161 = arith.constant 128 : i32
        %mul3A_162 = arith.muli %add3A_129, %mul3A_161 : i32
        %dma_wait3A_163 = tpu.memref_slice %arg4[%mul3A_162] : memref<320000xi32, #tpu.memory_space<hbm>> -> memref<128xi32, #tpu.memory_space<hbm>>
        %dma_wait3A_164 = tpu.memref_slice %arg4[%mul3A_162] : memref<320000xi32, #tpu.memory_space<hbm>> -> memref<128xi32, #tpu.memory_space<hbm>>
        tpu.wait_dma2 semaphore(%arg19 : memref<!tpu.dma_semaphore, #tpu.memory_space<semaphore_mem>>) src(%dma_wait3A_164 : memref<128xi32, #tpu.memory_space<hbm>>) dst(%arg10 : memref<128xi32, #tpu.memory_space<vmem>>)
        %dma_start3A = arith.constant 0 : i32
        %dma_start3A_165 = arith.constant 0 : i32
        %dma_start3A_166 = tpu.memref_slice %arg6[%dma_start3A, %dma_start3A_165] : memref<10112x128xf32, #tpu.memory_space<vmem_shared>> -> memref<10112x128xf32, #tpu.memory_space<vmem_shared>>
        tpu.enqueue_indirect_dma source(%arg13 : memref<128x128xf32, #tpu.memory_space<vmem>>) target(%dma_start3A_166 : memref<10112x128xf32, #tpu.memory_space<vmem_shared>>) offsets(%arg10 : memref<128xi32, #tpu.memory_space<vmem>>) semaphore(%arg25 : memref<!tpu.dma_semaphore, #tpu.memory_space<semaphore_mem>>) {add = true}
      } else {
      }
      %mul3A_135 = arith.constant 3 : i32
      %mul3A_136 = arith.muli %add3A_50, %mul3A_135 : i32
      %add3A_137 = arith.constant 1 : i32
      %add3A_138 = arith.addi %mul3A_136, %add3A_137 : i32
      %mul3A_139 = arith.constant 32 : i32
      %mul3A_140 = arith.muli %add3A_138, %mul3A_139 : i32
      %add3A_141 = arith.addi %mul3A_140, %add3A : i32
      %lt3A_142 = arith.constant 2500 : i32
      %lt3A_143 = arith.cmpi slt, %add3A_141, %lt3A_142 : i32
      %convert_element_type3A_144 = arith.extui %lt3A_143 : i1 to i32
      %cond3A_145 = arith.constant 0 : i32
      %cond3A_146 = arith.cmpi ne, %convert_element_type3A_144, %cond3A_145 : i32
      scf.if %cond3A_146 {
        %dma_wait3A = arith.constant 0 : i32
        %dma_wait3A_159 = arith.constant 0 : i32
        %dma_wait3A_160 = tpu.memref_slice %arg2[%dma_wait3A, %dma_wait3A_159] : memref<10000x128xf32, #tpu.memory_space<hbm>> -> memref<10000x128xf32, #tpu.memory_space<hbm>>
        tpu.wait_indirect_dma semaphore(%arg23 : memref<!tpu.dma_semaphore, #tpu.memory_space<semaphore_mem>>) src(%dma_wait3A_160 : memref<10000x128xf32, #tpu.memory_space<hbm>>) dst(%arg14 : memref<128x128xf32, #tpu.memory_space<vmem>>)
        %mul3A_161 = arith.constant 128 : i32
        %mul3A_162 = arith.muli %add3A_141, %mul3A_161 : i32
        %dma_wait3A_163 = tpu.memref_slice %arg4[%mul3A_162] : memref<320000xi32, #tpu.memory_space<hbm>> -> memref<128xi32, #tpu.memory_space<hbm>>
        %dma_wait3A_164 = tpu.memref_slice %arg4[%mul3A_162] : memref<320000xi32, #tpu.memory_space<hbm>> -> memref<128xi32, #tpu.memory_space<hbm>>
        tpu.wait_dma2 semaphore(%arg20 : memref<!tpu.dma_semaphore, #tpu.memory_space<semaphore_mem>>) src(%dma_wait3A_164 : memref<128xi32, #tpu.memory_space<hbm>>) dst(%arg11 : memref<128xi32, #tpu.memory_space<vmem>>)
        %dma_start3A = arith.constant 0 : i32
        %dma_start3A_165 = arith.constant 0 : i32
        %dma_start3A_166 = tpu.memref_slice %arg6[%dma_start3A, %dma_start3A_165] : memref<10112x128xf32, #tpu.memory_space<vmem_shared>> -> memref<10112x128xf32, #tpu.memory_space<vmem_shared>>
        tpu.enqueue_indirect_dma source(%arg14 : memref<128x128xf32, #tpu.memory_space<vmem>>) target(%dma_start3A_166 : memref<10112x128xf32, #tpu.memory_space<vmem_shared>>) offsets(%arg11 : memref<128xi32, #tpu.memory_space<vmem>>) semaphore(%arg26 : memref<!tpu.dma_semaphore, #tpu.memory_space<semaphore_mem>>) {add = true}
      } else {
      }
      %mul3A_147 = arith.constant 3 : i32
      %mul3A_148 = arith.muli %add3A_50, %mul3A_147 : i32
      %add3A_149 = arith.constant 2 : i32
      %add3A_150 = arith.addi %mul3A_148, %add3A_149 : i32
      %mul3A_151 = arith.constant 32 : i32
      %mul3A_152 = arith.muli %add3A_150, %mul3A_151 : i32
      %add3A_153 = arith.addi %mul3A_152, %add3A : i32
      %lt3A_154 = arith.constant 2500 : i32
      %lt3A_155 = arith.cmpi slt, %add3A_153, %lt3A_154 : i32
      %convert_element_type3A_156 = arith.extui %lt3A_155 : i1 to i32
      %cond3A_157 = arith.constant 0 : i32
      %cond3A_158 = arith.cmpi ne, %convert_element_type3A_156, %cond3A_157 : i32
      scf.if %cond3A_158 {
        %dma_wait3A = arith.constant 0 : i32
        %dma_wait3A_159 = arith.constant 0 : i32
        %dma_wait3A_160 = tpu.memref_slice %arg2[%dma_wait3A, %dma_wait3A_159] : memref<10000x128xf32, #tpu.memory_space<hbm>> -> memref<10000x128xf32, #tpu.memory_space<hbm>>
        tpu.wait_indirect_dma semaphore(%arg24 : memref<!tpu.dma_semaphore, #tpu.memory_space<semaphore_mem>>) src(%dma_wait3A_160 : memref<10000x128xf32, #tpu.memory_space<hbm>>) dst(%arg15 : memref<128x128xf32, #tpu.memory_space<vmem>>)
        %mul3A_161 = arith.constant 128 : i32
        %mul3A_162 = arith.muli %add3A_153, %mul3A_161 : i32
        %dma_wait3A_163 = tpu.memref_slice %arg4[%mul3A_162] : memref<320000xi32, #tpu.memory_space<hbm>> -> memref<128xi32, #tpu.memory_space<hbm>>
        %dma_wait3A_164 = tpu.memref_slice %arg4[%mul3A_162] : memref<320000xi32, #tpu.memory_space<hbm>> -> memref<128xi32, #tpu.memory_space<hbm>>
        tpu.wait_dma2 semaphore(%arg21 : memref<!tpu.dma_semaphore, #tpu.memory_space<semaphore_mem>>) src(%dma_wait3A_164 : memref<128xi32, #tpu.memory_space<hbm>>) dst(%arg12 : memref<128xi32, #tpu.memory_space<vmem>>)
        %dma_start3A = arith.constant 0 : i32
        %dma_start3A_165 = arith.constant 0 : i32
        %dma_start3A_166 = tpu.memref_slice %arg6[%dma_start3A, %dma_start3A_165] : memref<10112x128xf32, #tpu.memory_space<vmem_shared>> -> memref<10112x128xf32, #tpu.memory_space<vmem_shared>>
        tpu.enqueue_indirect_dma source(%arg15 : memref<128x128xf32, #tpu.memory_space<vmem>>) target(%dma_start3A_166 : memref<10112x128xf32, #tpu.memory_space<vmem_shared>>) offsets(%arg12 : memref<128xi32, #tpu.memory_space<vmem>>) semaphore(%arg27 : memref<!tpu.dma_semaphore, #tpu.memory_space<semaphore_mem>>) {add = true}
      } else {
      }
    }
    %scan3A_22 = arith.constant 27 : i32
    %add3A_23 = arith.constant 0 : i32
    %add3A_24 = arith.addi %add3A_23, %add3A : i32
    %lt3A = arith.constant 2500 : i32
    %lt3A_25 = arith.cmpi slt, %add3A_24, %lt3A : i32
    %convert_element_type3A = arith.extui %lt3A_25 : i1 to i32
    %cond3A = arith.constant 0 : i32
    %cond3A_26 = arith.cmpi ne, %convert_element_type3A, %cond3A : i32
    scf.if %cond3A_26 {
      %dma_wait3A = arith.constant 0 : i32
      %dma_wait3A_46 = arith.constant 0 : i32
      %dma_wait3A_47 = tpu.memref_slice %arg6[%dma_wait3A, %dma_wait3A_46] : memref<10112x128xf32, #tpu.memory_space<vmem_shared>> -> memref<10112x128xf32, #tpu.memory_space<vmem_shared>>
      tpu.wait_indirect_dma semaphore(%arg25 : memref<!tpu.dma_semaphore, #tpu.memory_space<semaphore_mem>>) src(%arg13 : memref<128x128xf32, #tpu.memory_space<vmem>>) dst(%dma_wait3A_47 : memref<10112x128xf32, #tpu.memory_space<vmem_shared>>)
    } else {
    }
    %add3A_27 = arith.constant 32 : i32
    %add3A_28 = arith.addi %add3A_27, %add3A : i32
    %lt3A_29 = arith.constant 2500 : i32
    %lt3A_30 = arith.cmpi slt, %add3A_28, %lt3A_29 : i32
    %convert_element_type3A_31 = arith.extui %lt3A_30 : i1 to i32
    %cond3A_32 = arith.constant 0 : i32
    %cond3A_33 = arith.cmpi ne, %convert_element_type3A_31, %cond3A_32 : i32
    scf.if %cond3A_33 {
      %dma_wait3A = arith.constant 0 : i32
      %dma_wait3A_46 = arith.constant 0 : i32
      %dma_wait3A_47 = tpu.memref_slice %arg6[%dma_wait3A, %dma_wait3A_46] : memref<10112x128xf32, #tpu.memory_space<vmem_shared>> -> memref<10112x128xf32, #tpu.memory_space<vmem_shared>>
      tpu.wait_indirect_dma semaphore(%arg26 : memref<!tpu.dma_semaphore, #tpu.memory_space<semaphore_mem>>) src(%arg14 : memref<128x128xf32, #tpu.memory_space<vmem>>) dst(%dma_wait3A_47 : memref<10112x128xf32, #tpu.memory_space<vmem_shared>>)
    } else {
    }
    %add3A_34 = arith.constant 64 : i32
    %add3A_35 = arith.addi %add3A_34, %add3A : i32
    %lt3A_36 = arith.constant 2500 : i32
    %lt3A_37 = arith.cmpi slt, %add3A_35, %lt3A_36 : i32
    %convert_element_type3A_38 = arith.extui %lt3A_37 : i1 to i32
    %cond3A_39 = arith.constant 0 : i32
    %cond3A_40 = arith.cmpi ne, %convert_element_type3A_38, %cond3A_39 : i32
    scf.if %cond3A_40 {
      %dma_wait3A = arith.constant 0 : i32
      %dma_wait3A_46 = arith.constant 0 : i32
      %dma_wait3A_47 = tpu.memref_slice %arg6[%dma_wait3A, %dma_wait3A_46] : memref<10112x128xf32, #tpu.memory_space<vmem_shared>> -> memref<10112x128xf32, #tpu.memory_space<vmem_shared>>
      tpu.wait_indirect_dma semaphore(%arg27 : memref<!tpu.dma_semaphore, #tpu.memory_space<semaphore_mem>>) src(%arg15 : memref<128x128xf32, #tpu.memory_space<vmem>>) dst(%dma_wait3A_47 : memref<10112x128xf32, #tpu.memory_space<vmem_shared>>)
    } else {
    }
    %barrier3A_41 = arith.constant 0 : index
    tpu.barrier barrier_id(%barrier3A_41)
    %mul3A_42 = arith.constant 632 : i32
    %mul3A_43 = arith.muli %arg1, %mul3A_42 : i32
    %mul3A_44 = arith.constant 632 : i32
    %mul3A_45 = arith.muli %arg1, %mul3A_44 : i32
    "tpu.region"() ({
      %run_scoped3A = tpu.sem_alloc : memref<!tpu.dma_semaphore, #tpu.memory_space<semaphore_mem>>
      %dma_start3A = arith.constant 0 : i32
      %dma_start3A_46 = tpu.memref_slice %arg5[%arg0, %mul3A_45, %dma_start3A] : memref<2x10112x128xf32, #tpu.memory_space<hbm>> -> memref<1x632x128xf32, #tpu.memory_space<hbm>>
      %dma_start3A_47 = tpu.memref_squeeze %dma_start3A_46 : memref<1x632x128xf32, #tpu.memory_space<hbm>> -> memref<632x128xf32, #tpu.memory_space<hbm>>
      %dma_start3A_48 = arith.constant 0 : i32
      %dma_start3A_49 = tpu.memref_slice %arg6[%mul3A_43, %dma_start3A_48] : memref<10112x128xf32, #tpu.memory_space<vmem_shared>> -> memref<632x128xf32, #tpu.memory_space<vmem_shared>>
      tpu.enqueue_dma source(%dma_start3A_49 : memref<632x128xf32, #tpu.memory_space<vmem_shared>>) target(%dma_start3A_47 : memref<632x128xf32, #tpu.memory_space<hbm>>) target_semaphore(%run_scoped3A : memref<!tpu.dma_semaphore, #tpu.memory_space<semaphore_mem>>)
      %dma_wait3A = arith.constant 0 : i32
      %dma_wait3A_50 = tpu.memref_slice %arg5[%arg0, %mul3A_45, %dma_wait3A] : memref<2x10112x128xf32, #tpu.memory_space<hbm>> -> memref<1x632x128xf32, #tpu.memory_space<hbm>>
      %dma_wait3A_51 = tpu.memref_squeeze %dma_wait3A_50 : memref<1x632x128xf32, #tpu.memory_space<hbm>> -> memref<632x128xf32, #tpu.memory_space<hbm>>
      %dma_wait3A_52 = arith.constant 0 : i32
      %dma_wait3A_53 = tpu.memref_slice %arg6[%mul3A_43, %dma_wait3A_52] : memref<10112x128xf32, #tpu.memory_space<vmem_shared>> -> memref<632x128xf32, #tpu.memory_space<vmem_shared>>
      tpu.wait_dma2 semaphore(%run_scoped3A : memref<!tpu.dma_semaphore, #tpu.memory_space<semaphore_mem>>) src(%dma_wait3A_53 : memref<632x128xf32, #tpu.memory_space<vmem_shared>>) dst(%dma_wait3A_51 : memref<632x128xf32, #tpu.memory_space<hbm>>)
      tpu.yield
    }) : () -> ()
    return
  }
}

module attributes {stable_mosaic.version = 14 : i64} {
  func.func @body(%arg0: i32, %arg1: memref<2x2000x128xf32, #tpu.memory_space<vmem>>, %arg2: memref<2000x128xf32, #tpu.memory_space<vmem>>, %arg3: memref<2000x1xf32, #tpu.memory_space<vmem>>, %arg4: memref<128x128xf32, #tpu.memory_space<vmem>>, %arg5: memref<1x128xf32, #tpu.memory_space<vmem>>, %arg6: memref<2000x128xf32, #tpu.memory_space<vmem>>) attributes {dimension_semantics = [#tpu.dimension_semantics<arbitrary>], iteration_bounds = array<i64: 5>, scalar_prefetch = 0 : i64, scratch_operands = 0 : i64, tpu.core_type = #tpu.core_type<tc>, window_params = [{transform_indices = @transform_0, window_bounds = array<i64: 2, 2000, 128>}, {transform_indices = @transform_1, window_bounds = array<i64: 2000, 128>}, {transform_indices = @transform_2, window_bounds = array<i64: 2000, 1>}, {pipeline_mode = #tpu.pipeline_mode<synchronous>, transform_indices = @transform_3, window_bounds = array<i64: 128, 128>}, {pipeline_mode = #tpu.pipeline_mode<synchronous>, transform_indices = @transform_4, window_bounds = array<i64: 1, 128>}, {transform_indices = @transform_5, window_bounds = array<i64: 2000, 128>}]} {
    %get3A = arith.constant 0 : index
    %get3A_0 = arith.constant 0 : index
    %get3A_1 = arith.constant 0 : index
    %get3A_2 = vector.load %arg1[%get3A, %get3A_0, %get3A_1] : memref<2x2000x128xf32, #tpu.memory_space<vmem>>, vector<1x2000x128xf32>
    %get3A_3 = vector.shape_cast %get3A_2 : vector<1x2000x128xf32> to vector<2000x128xf32>
    %get3A_4 = arith.constant 1 : index
    %get3A_5 = arith.constant 0 : index
    %get3A_6 = arith.constant 0 : index
    %get3A_7 = vector.load %arg1[%get3A_4, %get3A_5, %get3A_6] : memref<2x2000x128xf32, #tpu.memory_space<vmem>>, vector<1x2000x128xf32>
    %get3A_8 = vector.shape_cast %get3A_7 : vector<1x2000x128xf32> to vector<2000x128xf32>
    %add3A = arith.addf %get3A_3, %get3A_8 : vector<2000x128xf32>
    %get3A_9 = arith.constant 0 : index
    %get3A_10 = arith.constant 0 : index
    %get3A_11 = vector.load %arg2[%get3A_9, %get3A_10] : memref<2000x128xf32, #tpu.memory_space<vmem>>, vector<2000x128xf32>
    %add3A_12 = arith.addf %add3A, %get3A_11 : vector<2000x128xf32>
    %get3A_13 = arith.constant 0 : index
    %get3A_14 = arith.constant 0 : index
    %get3A_15 = vector.load %arg4[%get3A_13, %get3A_14] : memref<128x128xf32, #tpu.memory_space<vmem>>, vector<128x128xf32>
    %dot_general3A = arith.constant dense<0.000000e+00> : vector<2000x128xf32>
    %dot_general3A_16 = tpu.matmul %add3A_12, %get3A_15, %dot_general3A {dimension_numbers = #tpu.dot_dimension_numbers<[1], [0], [0], [1], [0, 0, 1, 1], [], []>, precision = #tpu.contract_precision<fp32>, transpose_lhs_hint = false} : vector<2000x128xf32>, vector<128x128xf32>, vector<2000x128xf32> -> vector<2000x128xf32>
    %get3A_17 = arith.constant 0 : index
    %get3A_18 = arith.constant 0 : index
    %get3A_19 = vector.load %arg3[%get3A_17, %get3A_18] : memref<2000x1xf32, #tpu.memory_space<vmem>>, vector<2000x1xf32>
    %mul3A = vector.broadcast %get3A_19 : vector<2000x1xf32> to vector<2000x128xf32>
    %mul3A_20 = arith.mulf %mul3A, %dot_general3A_16 : vector<2000x128xf32>
    %get3A_21 = arith.constant 0 : index
    %get3A_22 = arith.constant 0 : index
    %get3A_23 = vector.load %arg5[%get3A_21, %get3A_22] : memref<1x128xf32, #tpu.memory_space<vmem>>, vector<1x128xf32>
    %add3A_24 = vector.broadcast %get3A_23 : vector<1x128xf32> to vector<2000x128xf32>
    %add3A_25 = arith.addf %mul3A_20, %add3A_24 : vector<2000x128xf32>
    %swap3A = arith.constant 0 : index
    %swap3A_26 = arith.constant 0 : index
    %swap3A_27 = vector.load %arg6[%swap3A, %swap3A_26] : memref<2000x128xf32, #tpu.memory_space<vmem>>, vector<2000x128xf32>
    tpu.vector_store %arg6[%swap3A, %swap3A_26], %add3A_25 {strides = array<i32>} : memref<2000x128xf32, #tpu.memory_space<vmem>>, vector<2000x128xf32>,
    return
  }
  func.func @transform_0(%arg0: i32) -> (i32, i32, i32) {
    %c0_i32 = arith.constant 0 : i32
    %c0_i32_0 = arith.constant 0 : i32
    %c0_i32_1 = arith.constant 0 : i32
    return %c0_i32, %arg0, %c0_i32_0 : i32, i32, i32
  }
  func.func @transform_1(%arg0: i32) -> (i32, i32) {
    %c0_i32 = arith.constant 0 : i32
    %c0_i32_0 = arith.constant 0 : i32
    return %arg0, %c0_i32 : i32, i32
  }
  func.func @transform_2(%arg0: i32) -> (i32, i32) {
    %c0_i32 = arith.constant 0 : i32
    %c0_i32_0 = arith.constant 0 : i32
    return %arg0, %c0_i32 : i32, i32
  }
  func.func @transform_3(%arg0: i32) -> (i32, i32) {
    %c0_i32 = arith.constant 0 : i32
    %c0_i32_0 = arith.constant 0 : i32
    %c0_i32_1 = arith.constant 0 : i32
    return %c0_i32, %c0_i32_0 : i32, i32
  }
  func.func @transform_4(%arg0: i32) -> (i32, i32) {
    %c0_i32 = arith.constant 0 : i32
    %c0_i32_0 = arith.constant 0 : i32
    %c0_i32_1 = arith.constant 0 : i32
    return %c0_i32, %c0_i32_0 : i32, i32
  }
  func.func @transform_5(%arg0: i32) -> (i32, i32) {
    %c0_i32 = arith.constant 0 : i32
    %c0_i32_0 = arith.constant 0 : i32
    return %arg0, %c0_i32 : i32, i32
  }
}

module attributes {stable_mosaic.version = 14 : i64} {
  func.func @body(%arg0: i32, %arg1: memref<2000x128xf32, #tpu.memory_space<vmem>>, %arg2: memref<2x2000x16xf32, #tpu.memory_space<vmem>>, %arg3: memref<2000x128xf32, #tpu.memory_space<vmem>>, %arg4: memref<2000x1xf32, #tpu.memory_space<vmem>>) attributes {dimension_semantics = [#tpu.dimension_semantics<arbitrary>], iteration_bounds = array<i64: 5>, scalar_prefetch = 0 : i64, scratch_operands = 0 : i64, tpu.core_type = #tpu.core_type<tc>, window_params = [{transform_indices = @transform_0, window_bounds = array<i64: 2000, 128>}, {transform_indices = @transform_1, window_bounds = array<i64: 2, 2000, 16>}, {transform_indices = @transform_2, window_bounds = array<i64: 2000, 128>}, {transform_indices = @transform_3, window_bounds = array<i64: 2000, 1>}]} {
    %get3A = arith.constant 0 : index
    %get3A_0 = arith.constant 0 : index
    %get3A_1 = arith.constant 0 : index
    %get3A_2 = vector.load %arg2[%get3A, %get3A_0, %get3A_1] : memref<2x2000x16xf32, #tpu.memory_space<vmem>>, vector<1x2000x1xf32>
    %get3A_3 = vector.shape_cast %get3A_2 : vector<1x2000x1xf32> to vector<2000x1xf32>
    %get3A_4 = arith.constant 1 : index
    %get3A_5 = arith.constant 0 : index
    %get3A_6 = arith.constant 0 : index
    %get3A_7 = vector.load %arg2[%get3A_4, %get3A_5, %get3A_6] : memref<2x2000x16xf32, #tpu.memory_space<vmem>>, vector<1x2000x1xf32>
    %get3A_8 = vector.shape_cast %get3A_7 : vector<1x2000x1xf32> to vector<2000x1xf32>
    %add3A = arith.addf %get3A_3, %get3A_8 : vector<2000x1xf32>
    %add3A_9 = arith.constant 1.000000e+00 : f32
    %add3A_10 = vector.broadcast %add3A_9 : f32 to vector<2000x1xf32>
    %add3A_11 = arith.addf %add3A, %add3A_10 : vector<2000x1xf32>
    %rsqrt3A = math.rsqrt %add3A_11 : vector<2000x1xf32>
    %swap3A = arith.constant 0 : index
    %swap3A_12 = arith.constant 0 : index
    %swap3A_13 = vector.load %arg4[%swap3A, %swap3A_12] : memref<2000x1xf32, #tpu.memory_space<vmem>>, vector<2000x1xf32>
    tpu.vector_store %arg4[%swap3A, %swap3A_12], %rsqrt3A {strides = array<i32>} : memref<2000x1xf32, #tpu.memory_space<vmem>>, vector<2000x1xf32>,
    %get3A_14 = arith.constant 0 : index
    %get3A_15 = arith.constant 0 : index
    %get3A_16 = vector.load %arg1[%get3A_14, %get3A_15] : memref<2000x128xf32, #tpu.memory_space<vmem>>, vector<2000x128xf32>
    %mul3A = vector.broadcast %rsqrt3A : vector<2000x1xf32> to vector<2000x128xf32>
    %mul3A_17 = arith.mulf %get3A_16, %mul3A : vector<2000x128xf32>
    %swap3A_18 = arith.constant 0 : index
    %swap3A_19 = arith.constant 0 : index
    %swap3A_20 = vector.load %arg3[%swap3A_18, %swap3A_19] : memref<2000x128xf32, #tpu.memory_space<vmem>>, vector<2000x128xf32>
    tpu.vector_store %arg3[%swap3A_18, %swap3A_19], %mul3A_17 {strides = array<i32>} : memref<2000x128xf32, #tpu.memory_space<vmem>>, vector<2000x128xf32>,
    return
  }
  func.func @transform_0(%arg0: i32) -> (i32, i32) {
    %c0_i32 = arith.constant 0 : i32
    %c0_i32_0 = arith.constant 0 : i32
    return %arg0, %c0_i32 : i32, i32
  }
  func.func @transform_1(%arg0: i32) -> (i32, i32, i32) {
    %c0_i32 = arith.constant 0 : i32
    %c0_i32_0 = arith.constant 0 : i32
    %c0_i32_1 = arith.constant 0 : i32
    return %c0_i32, %arg0, %c0_i32_0 : i32, i32, i32
  }
  func.func @transform_2(%arg0: i32) -> (i32, i32) {
    %c0_i32 = arith.constant 0 : i32
    %c0_i32_0 = arith.constant 0 : i32
    return %arg0, %c0_i32 : i32, i32
  }
  func.func @transform_3(%arg0: i32) -> (i32, i32) {
    %c0_i32 = arith.constant 0 : i32
    %c0_i32_0 = arith.constant 0 : i32
    return %arg0, %c0_i32 : i32, i32
  }
}

</mosaic_0001>

<sc_bundles>
// kernel: kernel.6.cloned.1.call-start
scs
__scs_entry_jumppad:
0x0: {  	(pc) =	sbr.rel $0x88, $3  }
0x1: {  	(tag) =	ssettag $0x0;
	lr =	simm.s32 $0x1  }
0x2: {  	[smem:$0x3F9D] =	sst lr;
	_ =	strace $0xD0000000  }
0x3: {  	_ = 	snop  }
0x4: {  	_ = 	snop  }
0x5: {  	_ = 	snop  }
0x6: {  	_ = 	snop  }
0x7: {  	_ = 	snop  }
__scs_overlays_trampoline_lowered:
0x8: {  	[smem:$0x3FAC] =	sst s0  }
0x9: {  	[smem:$0x3FAD] =	sst s1  }
0xa: {  	[smem:$0x3FAE] =	sst s2  }
0xb: {  	[smem:$0x3FAF] =	sst s3  }
0xc: {  	[smem:$0x3FB0] =	sst s4  }
0xd: {  	[smem:$0x3FB1] =	sst s5  }
0xe: {  	[smem:$0x3FB2] =	sst s6  }
0xf: {  	[smem:$0x3FB3] =	sst s7  }
0x10: {  	[smem:$0x3FB4] =	sst s8  }
0x11: {  	[smem:$0x3FB5] =	sst s9;
	s0 =	simm.s32 @!p0 $0x0  }
0x12: {  	s1 =	sld [smem:$0x3F9B];
	s0 =	simm.s32 @p0 $0x1  }
0x13: {  	[smem:$0x3FB6] =	sst s0;
	s0 =	simm.s32 @!p1 $0x0  }
0x14: {  	s2 =	sld [smem:$0x3F9A];
	s0 =	simm.s32 @p1 $0x1  }
0x15: {  	[smem:$0x3FB7] =	sst s0;
	s0 =	simm.s32 @!p2 $0x0  }
0x16: {  	s3 =	sld [smem:$0x3FDB];
	s0 =	simm.s32 @p2 $0x1  }
0x17: {  	s4 =	simm.s32 $0x1BF5;
	[smem:$0x3FB9] =	sst s0  }
0x18: {  	s0 =	sld [smem:$0x3F9C];
	_ =	swait.ge [sflag:s4], $0x0  }
0x19: {  	s7 =	sld [smem:$0x3F9D]  }
0x1a: {  	s8 =	sadd.s32 $0xFFFFE003, lr  }
0x1b: {  	s9 =	sadd.s32 $0xFFFFFEF7, lr;
	s5 =	simm.s32 $0xFFFFFFFF;
	p2 =	slt.u32 s8, $0xFFFFF086  }
0x1c: {  	p1 =	slt.u32 s9, $0xF7A;
	s5 =	simm.s32 @!p2 $0x0  }
0x1d: {  	s5 =	simm.s32 @p1 $0x1;
	p0 =	seq.s32 s7, s2  }
0x1e: {  	s7 =	smul.u32 @!p0 $0xF7A, s2;
	p2 =	seq.s32 @!p0 s5, $0x0  }
0x1f: {  	s9 =	smul.u32 $0xF7A, s1;
	s8 =	simm.s32 @!p0 $0x1BF5;
	p2 =	por !p2, p0  }
0x20: {  	[sflag:s8] =	ssyncset.s32 @!p0 $0xFFFFF086;
	s6 =	sadd.s32 @!p0 s3, s7;
	s7 =	simm.s32 @!p0 $0x108  }
0x21: {  	s3 =	sadd.s32 s3, s9;
	s6 =	sadd.s32 @!p0 $0x88, s6;
	s7 =	simm.s32 @p2 $0x1082  }
0x22: {  	[simem:s7], [sflag:s8] =	dma.local @!p0 [hbm:s6], $0xF7A  }
0x23: {  	s9 =	sor.u32 $0xD0000000, s2;
	s6 =	simm.s32 $0x108;
	_ =	swait.ge @!p0 [sflag:s8], $0x0  }
0x24: {  	s3 =	sadd.s32 $0x88, s3;
	s6 =	simm.s32 @!p1 $0x1082;
	[sflag:s4] =	ssyncset.s32 $0xFFFFF086  }
0x25: {  	[simem:s6], [sflag:s4] =	dma.local [hbm:s3], $0xF7A  }
0x26: {  	[smem:$0x3F9D] =	sst s1;
	(tag) =	ssettag s2;
	_ =	strace s9  }
0x27: {  	s1 =	sld [smem:$0x3FAD]  }
0x28: {  	s2 =	sld [smem:$0x3FAE]  }
0x29: {  	s4 =	sld [smem:$0x3FB0]  }
0x2a: {  	p0 =	seq.s32 s5, $0x0;
	s5 =	sld [smem:$0x3FB1]  }
0x2b: {  	s6 =	sld [smem:$0x3FB2]  }
0x2c: {  	s7 =	sld [smem:$0x3FB3]  }
0x2d: {  	s3 =	simm.s32 $0x108;
	s8 =	sld [smem:$0x3FB4]  }
0x2e: {  	s3 =	simm.s32 @!p0 $0x1082;
	s9 =	sld [smem:$0x3FB5]  }
0x2f: {  	lr =	sadd.s32 s0, s3;
	s0 =	sld [smem:$0x3FAC]  }
0x30: {  	s3 =	sld [smem:$0x3FAF]  }
0x31: {  	[smem:$0x3FB8] =	sst s10  }
0x32: {  	s10 =	sld [smem:$0x3FB6];
	_ =	sdelay $0x3  }
0x33: {  	p0 =	seq.s32 s10, $0x1;
	s10 =	sld [smem:$0x3FB8];
	_ =	sdelay $0x3  }
0x34: {  	[smem:$0x3FB8] =	sst s10  }
0x35: {  	s10 =	sld [smem:$0x3FB7];
	_ =	sdelay $0x3  }
0x36: {  	p1 =	seq.s32 s10, $0x1;
	s10 =	sld [smem:$0x3FB8];
	_ =	sdelay $0x3  }
0x37: {  	[smem:$0x3FB8] =	sst s10  }
0x38: {  	s10 =	sld [smem:$0x3FB9]  }
0x39: {  	_ = 	snop;
	(pc) =	sbr.ind lr, $3  }
0x3a: {  	_ = 	snop  }
0x3b: {  	_ = 	snop  }
0x3c: {  	p2 =	seq.s32 s10, $0x1;
	s10 =	sld [smem:$0x3FB8]  }
0x3d: {  	_ =	shalt  }
0x3e: {  	_ =	shalt  }
0x3f: {  	_ =	shalt  }
0x40: {  	_ =	shalt  }
0x41: {  	_ =	shalt  }
0x42: {  	_ =	shalt  }
0x43: {  	_ =	shalt  }
0x44: {  	_ =	shalt  }
0x45: {  	_ =	shalt  }
0x46: {  	_ =	shalt  }
0x47: {  	_ =	shalt  }
0x48: {  	_ =	shalt  }
0x49: {  	_ =	shalt  }
0x4a: {  	_ =	shalt  }
0x4b: {  	_ =	shalt  }
0x4c: {  	_ =	shalt  }
0x4d: {  	_ =	shalt  }
0x4e: {  	_ =	shalt  }
0x4f: {  	_ =	shalt  }
0x50: {  	_ =	shalt  }
0x51: {  	_ =	shalt  }
0x52: {  	_ =	shalt  }
0x53: {  	_ =	shalt  }
0x54: {  	_ =	shalt  }
0x55: {  	_ =	shalt  }
0x56: {  	_ =	shalt  }
0x57: {  	_ =	shalt  }
0x58: {  	_ =	shalt  }
0x59: {  	_ =	shalt  }
0x5a: {  	_ =	shalt  }
0x5b: {  	_ =	shalt  }
0x5c: {  	_ =	shalt  }
0x5d: {  	_ =	shalt  }
0x5e: {  	_ =	shalt  }
0x5f: {  	_ =	shalt  }
0x60: {  	_ =	shalt  }
0x61: {  	_ =	shalt  }
0x62: {  	_ =	shalt  }
0x63: {  	_ =	shalt  }
0x64: {  	_ =	shalt  }
0x65: {  	_ =	shalt  }
0x66: {  	_ =	shalt  }
0x67: {  	_ =	shalt  }
0x68: {  	_ =	shalt  }
0x69: {  	_ =	shalt  }
0x6a: {  	_ =	shalt  }
0x6b: {  	_ =	shalt  }
0x6c: {  	_ =	shalt  }
0x6d: {  	_ =	shalt  }
0x6e: {  	_ =	shalt  }
0x6f: {  	_ =	shalt  }
0x70: {  	_ =	shalt  }
0x71: {  	_ =	shalt  }
0x72: {  	_ =	shalt  }
0x73: {  	_ =	shalt  }
0x74: {  	_ =	shalt  }
0x75: {  	_ =	shalt  }
0x76: {  	_ =	shalt  }
0x77: {  	_ =	shalt  }
0x78: {  	_ =	shalt  }
0x79: {  	_ =	shalt  }
0x7a: {  	_ =	shalt  }
0x7b: {  	_ =	shalt  }
0x7c: {  	_ =	shalt  }
0x7d: {  	_ =	shalt  }
0x7e: {  	_ =	shalt  }
0x7f: {  	_ =	shalt  }
0x80: {  	_ =	shalt  }
0x81: {  	_ =	shalt  }
0x82: {  	_ =	shalt  }
0x83: {  	_ =	shalt  }
0x84: {  	_ =	shalt  }
0x85: {  	_ =	shalt  }
0x86: {  	_ =	shalt  }
0x87: {  	_ =	shalt  }
.Lfunc_end0:
.L_simem_size_0:
called_computation_lowered:
.L_overlay_start_0:
0x88: {  	s2 =	sld [smem:$0x3FD9]  }
0x89: {  	s3 =	sld [smem:$0x3FFE];
	_ =	sdelay $0x1  }
0x8a: {  	s1 =	srdreg.scid  }
0x8b: {  	s0 =	sand.u32 $0x1, s1  }
0x8c: {  	s17 =	sshll.u32 s0, $0xA;
	s2 =	sadd.s32 s3, s2  }
0x8d: {  	s2 =	sadd.s32 s2, s17  }
0x8e: {  	[smem:$0x3FC4] =	sst s2  }
0x8f: {  	_ = 	snop  }
0x90: {  	s2 =	sld [smem:$0x3FD0];
	(tm) =	ssettm $0x1  }
0x91: {  	s18 =	sld [smem:$0x3FFB];
	_ =	sdelay $0x3  }
0x92: {  	_ =	strace s18  }
0x93: {  	s3 =	sld [smem:$0x3FFC];
	_ =	sdelay $0x3  }
0x94: {  	_ =	strace s3  }
0x95: {  	s3 =	sld [smem:$0x3FFD];
	_ =	sdelay $0x3  }
0x96: {  	_ =	strace s3  }
0x97: {  	_ =	strace $0x8FFFFFFF  }
0x98: {  	s19 =	sld [smem:$0x3FDB];
	_ =	sdelay $0x1  }
0x99: {  	s4 =	simm.s32 $_scs_section_size  }
0x9a: {  	s5 =	simm.s32 $_size__tile_overlayer_lowered;
	s6 =	simm.s32 $_tile_overlayer_lowered  }
0x9b: {  	s22 =	simm.s32 $0x1BFF;
	s21 =	sshll.u32 s6, $0x1;
	s3 =	sadd.s32 s4, s19  }
0x9c: {  	s7 =	simm.s32 $0x0;
	s20 =	sshll.u32 s5, $0x1;
	s5 =	sadd.s32 s21, s3  }
0x9d: {  	[timem:s7], [sflag:s22] =	dma.local [hbm:s5], s20  }
0x9e: {  	_ =	swait.ge [sflag:s22], s20  }
0x9f: {  	s4 =	ssub.s32 $0x0, s20;
	[sflag:s22] =	ssyncset.done $0x0  }
0xa0: {  	[sflag:s22] =	ssyncadd.s32 s4;
	_ =	sdelay $0x1  }
0xa1: {  	s23 =	simm.s32 $0x1B8B  }
0xa2: {  	_ =	swait.ge [sflag:s23], $0x1  }
0xa3: {  	[sflag:s23] =	ssyncset.done $0x0  }
0xa4: {  	s25 =	simm.s32 $0x1B8E;
	s24 =	sld [smem:$0x3FFE];
	[sflag:s23] =	ssyncadd.s32 $0xFFFFFFFF  }
0xa5: {  	s26 =	simm.s32 $execute0_lowered;
	[smem:$0x3FD2] =	sst s25  }
0xa6: {  	s5 =	sshll.u32 s26, $0x1;
	_ =	strace $0x80000046;
	[dreg:$0x1] =	wrdreg $0xFFFFFFFF  }
0xa7: {  	s28 =	simm.s32 $_size_execute0_lowered;
	s3 =	sadd.s32 s3, s5;
	[dreg:$0x0] =	wrdreg $0x0  }
0xa8: {  	s5 =	sshll.u32 s28, $0x1;
	[dreg:$0x2] =	wrdreg s3  }
0xa9: {  	[dreg:$0x3] =	wrdreg s5  }
0xaa: {  	[dreg:$0x4] =	wrdreg $0xC0  }
0xab: {  	_ =	task [dreg:s7], $0x5FFFF  }
0xac: {  	[dreg:$0x1] =	wrdreg $0xFFFFFFFF  }
0xad: {  	[dreg:$0x0] =	wrdreg $0x60  }
0xae: {  	[dreg:$0x2] =	wrdreg s2  }
0xaf: {  	[dreg:$0x3] =	wrdreg s24  }
0xb0: {  	[dreg:$0x4] =	wrdreg $0x0  }
0xb1: {  	[dreg:$0x5] =	wrdreg $0x9  }
0xb2: {  	_ =	task.clear_ibuf [dreg:s7], $0x6FFFF;
	_ =	strace $0x90000046  }
0xb3: {  	s29 =	simm.s32 $0x9;
	_ =	strace $0x80000048  }
0xb4: {  	_ =	swait.ge [sflag:s29], $0x1  }
0xb5: {  	[sflag:s29] =	ssyncadd.s32 $0xFFFFFFFF  }
0xb6: {  	_ =	strace $0x90000048  }
0xb7: {  	_ =	sfence  }
0xb8: {  	s30 =	sld [smem:$0x0];
	_ =	sdelay $0x2  }
0xb9: {  	s31 =	sshll.u32 s1, $0xD;
	s1 =	sshrl.u32 s1, $0x2  }
0xba: {  	s3 =	sand.u32 $0x4000, s31;
	s1 =	sadd.s32 s1, s30  }
0xbb: {  	s0 =	sor.u32 s3, s0;
	s1 =	sshll.u32 s1, $0x11  }
0xbc: {  	s0 =	sor.u32 s1, s0  }
0xbd: {  	s0 =	sadd.s32 $0x8F2B, s0  }
0xbe: {  	[sflag:s0] =	ssyncadd.remote.s32 $0x1  }
0xbf: {  	_ =	sfence.sel $0xFFFF  }
0xc0: {  	[dreg:$0x0] =	wrdreg $0xFFFFFFFF;
	(pc) =	sbr.abs _section_cstart, $3  }
0xc1: {  	[dreg:$0x1] =	wrdreg $0xFFFFFFFF  }
0xc2: {  	_ =	task.clear_ibuf [dreg:s7], $0x2FFFF;
	_ =	strace $0x9FFFFFFF  }
0xc3: {  	(tm) =	ssettm $0x7FFFFFFF  }
tec
execute0_lowered:
.L_overlay_start_1:
0x0: {  	(tag) =	ssettag $0x1  }
0x1: {  	s9 =	rddreg [dreg:$0x0]  }
0x2: {  	s4 =	rddreg [dreg:$0x1]  }
0x3: {  	s0 =	srdreg.scid;
	s2 =	rddreg [dreg:$0x2];
	s3 =	simm.s32 $0x0  }
0x4: {  	s16 =	simm.s32 $0x80;
	s17 =	simm.s32 $0x2800;
	s18 =	simm.s32 $0x2880  }
0x5: {  	s19 =	simm.s32 $0x2900;
	s20 =	simm.s32 $0x1;
	s10 =	sand.u32 $0x1, s0  }
0x6: {  	s21 =	simm.s32 $0x2;
	s0 =	stileid.u32;
	s5 =	smul.u32 $0x13C000, s10  }
0x7: {  	s22 =	simm.s32 $0x3;
	[smem:$0x7FF] =	sst s3;
	s6 =	smul.u32 $0x13C00, s0  }
0x8: {  	s23 =	simm.s32 $0x4;
	_ =	strace $0x80000047;
	s29 =	smul.u32 $0x4F000, s0  }
0x9: {  	s30 =	ssub.s32 $0x2, s10;
	s31 =	sshll.u32 s0, $0x1;
	s14 =	smul.u32 $0xA0, s0  }
0xa: {  	s15 =	smul.u32 $0x50, s10;
	s7 =	sshrl.u32 s30, $0x1;
	s5 =	sadd.s32 s6, s5  }
0xb: {  	s6 =	sshrl.u32 s29, $0x2;
	s12 =	ssub.s32 s30, s7;
	s5 =	sshrl.u32 s5, $0x3  }
0xc: {  	s11 =	sadd.s32 s5, s4;
	s5 =	sor.u32 s10, s31;
	s4 =	sadd.s32 s6, s2  }
0xd: {  	s13 =	smul.u32 $0x500, s5;
	s5 =	sadd.s32 $0x4000, s4;
	s6 =	sadd.s32 $0x8000, s4  }
0xe: {  	s7 =	sadd.s32 $0xC000, s4;
	s8 =	sadd.s32 $0x10000, s4;
	s10 =	sadd.s32 $0x15800, s11  }
0xf: {  	s11 =	smax.u32 s12, $0x1;
	s12 =	sadd.s32 s15, s14;
	s14 =	simm.s32 $0x5  }
0x10: {  	v0 =	vimm.f32 $0.0e+00;
	v1 =	vimm.f32 $1.000000000e+00;
	s15 =	simm.s32 $0x2780;
	s9 =	sadd.s32 s9, s13;
	s13 =	simm.s32 $0x4F80  }
.LBB2_1:
0x11: {  	s24 =	simm.s32 $0x200;
	s25 =	simm.s32 $0x0  }
.LBB2_2:
0x12: {  	p0 =	sne.s32 s24, $0xFE00;
	[tilespmem:s25+$0x4F80] =	vst v0;
	s25 =	smov.u32 s24;
	s24 =	sadd.s32 $0x200, s24  }
.Ltmp0:
0x13: {  	(pc) =	sbr.rel @p0 .LBB2_2-.Ltmp0, $2  }
0x14: {  	_ =	sdelay $0x2  }
0x15: {  	s25 =	sshra.s32 s25, $0x2  }
0x16: {  	[tilespmem:s25+$0x4F80] =	vst v0  }
0x17: {  	[spmem:s4] =	stream.linear.scatter [tilespmem:s13], [sflag:$0x5], $0x4000, $0x38;
	[tilespmem:$0x8F80] =	vst v63  }
0x18: {  	_ =	swait.ge [sflag:s14], $0x4000  }
0x19: {  	[sflag:s14] =	ssyncset.done $0x0  }
0x1a: {  	[sflag:s14] =	ssyncadd.s32 $0xFFFFC000  }
0x1b: {  	[spmem:s5] =	stream.linear.scatter [tilespmem:s13], [sflag:$0x5], $0x4000, $0x38;
	[tilespmem:$0x8F80] =	vst v63  }
0x1c: {  	_ =	swait.ge [sflag:s14], $0x4000  }
0x1d: {  	[sflag:s14] =	ssyncset.done $0x0  }
0x1e: {  	[sflag:s14] =	ssyncadd.s32 $0xFFFFC000  }
0x1f: {  	[spmem:s6] =	stream.linear.scatter [tilespmem:s13], [sflag:$0x5], $0x4000, $0x38;
	[tilespmem:$0x8F80] =	vst v63  }
0x20: {  	_ =	swait.ge [sflag:s14], $0x4000  }
0x21: {  	[sflag:s14] =	ssyncset.done $0x0  }
0x22: {  	[sflag:s14] =	ssyncadd.s32 $0xFFFFC000  }
0x23: {  	[spmem:s7] =	stream.linear.scatter [tilespmem:s13], [sflag:$0x5], $0x4000, $0x38;
	[tilespmem:$0x8F80] =	vst v63  }
0x24: {  	_ =	swait.ge [sflag:s14], $0x4000  }
0x25: {  	[sflag:s14] =	ssyncset.done $0x0  }
0x26: {  	[sflag:s14] =	ssyncadd.s32 $0xFFFFC000  }
0x27: {  	[spmem:s8] =	stream.linear.scatter [tilespmem:s13], [sflag:$0x5], $0x3C00, $0x38;
	[tilespmem:$0x8F80] =	vst v63  }
0x28: {  	_ =	swait.ge [sflag:s14], $0x3C00  }
0x29: {  	[sflag:s14] =	ssyncset.done $0x0  }
0x2a: {  	s24 =	simm.s32 $0x0;
	[sflag:s14] =	ssyncadd.s32 $0xFFFFC400  }
0x2b: {  	[tilespmem:s15], [sflag:$0x5] =	stream.linear.gather [hbm4b:s9+s24], $0x2800, $0x38;
	[tilespmem:$0x8F80] =	vst v63  }
0x2c: {  	_ =	swait.ge [sflag:s14], $0x2800  }
0x2d: {  	[sflag:s14] =	ssyncset.done $0x0  }
0x2e: {  	s25 =	simm.s32 $0x0;
	s24 =	simm.s32 $0x200;
	[sflag:s14] =	ssyncadd.s32 $0xFFFFD800  }
.LBB2_4:
0x2f: {  	p0 =	sne.s32 s24, $0xFE00;
	[tilespmem:s25+$0x4F80] =	vst v1;
	s25 =	smov.u32 s24;
	s24 =	sadd.s32 $0x200, s24  }
.Ltmp1:
0x30: {  	(pc) =	sbr.rel @p0 .LBB2_4-.Ltmp1, $2  }
0x31: {  	_ =	sdelay $0x2  }
0x32: {  	s25 =	sshra.s32 s25, $0x2  }
0x33: {  	[tilespmem:s25+$0x4F80] =	vst v1  }
0x34: {  	[bflag:$0x0] =	sbarrier.arrive $0xFFFF  }
0x35: {  	[spmem:s2] =	stream.indirect.scatter.add.f32 [tilespmem:s13], [sflag:$0x1], $0x10, s15, s16, $0xb8;
	[tilespmem:$0x8F80] =	vst v63  }
0x36: {  	s24 =	sadd.s32 $0x4, s12  }
0x37: {  	[spmem:s2] =	stream.indirect.scatter.add.f32 [tilespmem:s13], [sflag:$0x2], $0x10, s17, s16, $0xb8;
	[tilespmem:$0x8F80] =	vst v63  }
0x38: {  	p0 =	sgt.u32 s24, $0x9C3  }
0x39: {  	[spmem:s2] =	stream.indirect.scatter.add.f32 [tilespmem:s13], [sflag:$0x3], $0x10, s18, s16, $0xb8;
	[tilespmem:$0x8F80] =	vst v63  }
0x3a: {  	s24 =	simm.s32 @!p0 $0x1  }
0x3b: {  	[spmem:s2] =	stream.indirect.scatter.add.f32 [tilespmem:s13], [sflag:$0x4], $0x10, s19, s16, $0xb8;
	[tilespmem:$0x8F80] =	vst v63  }
0x3c: {  	_ =	swait.ge @!p0 [sflag:s24], $0x800  }
0x3d: {  	s25 =	simm.s32 @!p0 $0x4F80;
	s28 =	simm.s32 @!p0 $0x2;
	[sflag:s24] =	ssyncset.done @!p0 $0x0  }
0x3e: {  	s26 =	simm.s32 @!p0 $0x80;
	[sflag:s24] =	ssyncadd.s32 @!p0 $0xFFFFF800;
	s24 =	simm.s32 @!p0 $0x2980  }
0x3f: {  	[spmem:s2] =	stream.indirect.scatter.add.f32 @!p0 [tilespmem:s25], [sflag:$0x1], $0x10, s24, s26, $0xb8;
	[tilespmem:$0x8F80] =	vst v63  }
0x40: {  	_ =	swait.ge @!p0 [sflag:s28], $0x800;
	p0 =	por p0, p0  }
0x41: {  	[sflag:s28] =	ssyncset.done @!p0 $0x0  }
0x42: {  	s24 =	simm.s32 @!p0 $0x2A00;
	s29 =	simm.s32 @!p0 $0x3;
	[sflag:s28] =	ssyncadd.s32 @!p0 $0xFFFFF800  }
0x43: {  	[spmem:s2] =	stream.indirect.scatter.add.f32 @!p0 [tilespmem:s25], [sflag:$0x2], $0x10, s24, s26, $0xb8;
	[tilespmem:$0x8F80] =	vst v63  }
0x44: {  	_ =	swait.ge @!p0 [sflag:s29], $0x800  }
0x45: {  	s31 =	sadd.s32 $0x8, s12;
	[sflag:s29] =	ssyncset.done @!p0 $0x0  }
0x46: {  	s30 =	simm.s32 @!p0 $0x4;
	s24 =	simm.s32 @!p0 $0x2A80;
	[sflag:s29] =	ssyncadd.s32 @!p0 $0xFFFFF800  }
0x47: {  	[spmem:s2] =	stream.indirect.scatter.add.f32 @!p0 [tilespmem:s25], [sflag:$0x3], $0x10, s24, s26, $0xb8;
	[tilespmem:$0x8F80] =	vst v63  }
0x48: {  	p1 =	sgt.u32 s31, $0x9C3;
	s28 =	simm.s32 $0x2B00;
	_ =	swait.ge @!p0 [sflag:s30], $0x800  }
0x49: {  	s29 =	simm.s32 $0xC;
	s24 =	simm.s32 $0x2D00;
	[sflag:s30] =	ssyncset.done @!p0 $0x0  }
.LBB2_6:
0x4a: {  	s31 =	simm.s32 @!p1 $0x1  }
0x4b: {  	[sflag:s30] =	ssyncadd.s32 @!p0 $0xFFFFF800;
	s1 =	smov.u32 s29;
	s29 =	sadd.s32 $0x4, s29  }
0x4c: {  	[spmem:s2] =	stream.indirect.scatter.add.f32 @!p0 [tilespmem:s25], [sflag:$0x4], $0x10, s28, s26, $0xb8;
	[tilespmem:$0x8F80] =	vst v63  }
0x4d: {  	p2 =	sne.s32 s29, $0x50;
	s28 =	smov.u32 s24;
	_ =	swait.ge @!p1 [sflag:s31], $0x800  }
0x4e: {  	s30 =	simm.s32 @!p1 $0x2;
	s25 =	simm.s32 @!p1 $0x4F80;
	[sflag:s31] =	ssyncset.done @!p1 $0x0  }
0x4f: {  	s26 =	simm.s32 @!p1 $0x80;
	[sflag:s31] =	ssyncadd.s32 @!p1 $0xFFFFF800;
	s31 =	sadd.s32 @!p1 $0xFFFFFE80, s24  }
0x50: {  	[spmem:s2] =	stream.indirect.scatter.add.f32 @!p1 [tilespmem:s25], [sflag:$0x1], $0x10, s31, s26, $0xb8;
	[tilespmem:$0x8F80] =	vst v63  }
0x51: {  	p0 =	por p1, p1;
	_ =	swait.ge @!p1 [sflag:s30], $0x800  }
0x52: {  	[sflag:s30] =	ssyncset.done @!p0 $0x0  }
0x53: {  	s31 =	simm.s32 @!p0 $0x3;
	[sflag:s30] =	ssyncadd.s32 @!p0 $0xFFFFF800;
	s30 =	sadd.s32 @!p0 $0xFFFFFF00, s24  }
0x54: {  	[spmem:s2] =	stream.indirect.scatter.add.f32 @!p0 [tilespmem:s25], [sflag:$0x2], $0x10, s30, s26, $0xb8;
	[tilespmem:$0x8F80] =	vst v63  }
0x55: {  	_ =	swait.ge @!p0 [sflag:s31], $0x800  }
.Ltmp2:
0x56: {  	[sflag:s31] =	ssyncset.done @!p0 $0x0;
	(pc) =	sbr.rel @p2 .LBB2_6-.Ltmp2, $4  }
0x57: {  	s30 =	simm.s32 @!p0 $0x4;
	[sflag:s31] =	ssyncadd.s32 @!p0 $0xFFFFF800;
	s31 =	sadd.s32 @!p0 $0xFFFFFF80, s24  }
0x58: {  	[spmem:s2] =	stream.indirect.scatter.add.f32 @!p0 [tilespmem:s25], [sflag:$0x3], $0x10, s31, s26, $0xb8;
	[tilespmem:$0x8F80] =	vst v63  }
0x59: {  	s1 =	sadd.s32 s1, s12;
	_ =	swait.ge @!p0 [sflag:s30], $0x800  }
0x5a: {  	p1 =	sgt.u32 s1, $0x9C3;
	s24 =	sadd.s32 $0x200, s24;
	[sflag:s30] =	ssyncset.done @!p0 $0x0  }
0x5b: {  	s1 =	simm.s32 @!p1 $0x1;
	[sflag:s30] =	ssyncadd.s32 @!p0 $0xFFFFF800  }
0x5c: {  	[spmem:s2] =	stream.indirect.scatter.add.f32 @!p0 [tilespmem:s25], [sflag:$0x4], $0x10, s28, s26, $0xb8;
	[tilespmem:$0x8F80] =	vst v63  }
0x5d: {  	_ =	swait.ge @!p1 [sflag:s1], $0x800  }
0x5e: {  	s25 =	simm.s32 @!p1 $0x4F80;
	s26 =	simm.s32 @!p1 $0x2;
	[sflag:s1] =	ssyncset.done @!p1 $0x0  }
0x5f: {  	s28 =	simm.s32 @!p1 $0x80;
	[sflag:s1] =	ssyncadd.s32 @!p1 $0xFFFFF800;
	s1 =	sadd.s32 @!p1 $0xFFFFFE80, s24  }
0x60: {  	[spmem:s2] =	stream.indirect.scatter.add.f32 @!p1 [tilespmem:s25], [sflag:$0x1], $0x10, s1, s28, $0xb8;
	[tilespmem:$0x8F80] =	vst v63  }
0x61: {  	p0 =	por p1, p1;
	_ =	swait.ge @!p1 [sflag:s26], $0x800  }
0x62: {  	[sflag:s26] =	ssyncset.done @!p0 $0x0  }
0x63: {  	s1 =	sadd.s32 @!p0 $0xFFFFFF00, s24;
	[sflag:s26] =	ssyncadd.s32 @!p0 $0xFFFFF800;
	s26 =	simm.s32 @!p0 $0x3  }
0x64: {  	[spmem:s2] =	stream.indirect.scatter.add.f32 @!p0 [tilespmem:s25], [sflag:$0x2], $0x10, s1, s28, $0xb8;
	[tilespmem:$0x8F80] =	vst v63  }
0x65: {  	_ =	swait.ge @!p0 [sflag:s26], $0x800  }
0x66: {  	[sflag:s26] =	ssyncset.done @!p0 $0x0  }
0x67: {  	s1 =	sadd.s32 @!p0 $0xFFFFFF80, s24;
	[sflag:s26] =	ssyncadd.s32 @!p0 $0xFFFFF800;
	s26 =	simm.s32 @!p0 $0x4  }
0x68: {  	[spmem:s2] =	stream.indirect.scatter.add.f32 @!p0 [tilespmem:s25], [sflag:$0x3], $0x10, s1, s28, $0xb8;
	[tilespmem:$0x8F80] =	vst v63  }
0x69: {  	_ =	swait.ge @!p0 [sflag:s26], $0x800  }
0x6a: {  	[sflag:s26] =	ssyncset.done @!p0 $0x0  }
0x6b: {  	[sflag:s26] =	ssyncadd.s32 @!p0 $0xFFFFF800  }
0x6c: {  	[spmem:s2] =	stream.indirect.scatter.add.f32 @!p0 [tilespmem:s25], [sflag:$0x4], $0x10, s24, s28, $0xb8;
	[tilespmem:$0x8F80] =	vst v63  }
0x6d: {  	_ =	swait.ge [sflag:s20], $0x800  }
0x6e: {  	[sflag:s20] =	ssyncset.done $0x0  }
0x6f: {  	[sflag:s20] =	ssyncadd.s32 $0xFFFFF800  }
0x70: {  	_ =	swait.ge [sflag:s21], $0x800  }
0x71: {  	[sflag:s21] =	ssyncset.done $0x0  }
0x72: {  	[sflag:s21] =	ssyncadd.s32 $0xFFFFF800  }
0x73: {  	_ =	swait.ge [sflag:s22], $0x800  }
0x74: {  	[sflag:s22] =	ssyncset.done $0x0  }
0x75: {  	[sflag:s22] =	ssyncadd.s32 $0xFFFFF800  }
0x76: {  	_ =	swait.ge [sflag:s23], $0x800  }
0x77: {  	s30 =	sshll.u32 s0, $0x6;
	s3 =	sadd.s32 $0x1, s3;
	[sflag:s23] =	ssyncset.done $0x0  }
0x78: {  	s31 =	sshrl.u32 s4, $0x3;
	p0 =	sne.s32 s3, s11;
	[sflag:s23] =	ssyncadd.s32 $0xFFFFF800  }
.Ltmp3:
0x79: {  	s1 =	sor.u32 $0x1C05, s30;
	[bflag:$0x0] =	sbarrier.arrive $0xFFFF;
	(pc) =	sbr.rel @p0 .LBB2_1-.Ltmp3, $4  }
0x7a: {  	[hbm:s10], [sflag:s1] =	dma.local [spmem:s31], $0x2780  }
0x7b: {  	_ =	swait.ge [sflag:s14], $0x2780  }
0x7c: {  	[sflag:s14] =	ssyncset.done $0x0  }
0x7d: {  	[sflag:s14] =	ssyncadd.s32 $0xFFFFD880  }
0x7e: {  	_ =	sfence.sel $0x180000  }
0x7f: {  	[bflag:$0x0] =	sbarrier.arrive $0xFFFF  }
0x80: {  	_ =	strace $0x90000047  }
0x81: {  	[bflag:$0x2] =	sbarrier.arrive $0xFFFF  }
0x82: {  	p0 =	sne.s32 s0, $0x0;
	s0 =	rddreg [dreg:$0x3]  }
0x83: {  	s0 =	sadd.s32 @!p0 $0x100000, s0  }
0x84: {  	[sflag:s0] =	ssyncadd.tile.s32 @!p0 $0x1;
	_ =	shalt  }
.Lfunc_end2:
_tile_overlayer_lowered:
.L_overlay_start_2:
0x85: {  	(tag) =	ssettag $0x2  }
0x86: {  	s0 =	rddreg [dreg:$0x0];
	s2 =	stileid.u32  }
0x87: {  	s1 =	rddreg [dreg:$0x1];
	p0 =	sne.s32 s2, $0x0  }
0x88: {  	s3 =	rddreg [dreg:$0x2];
	[bflag:$0x3] =	sbarrier.arrive $0xFFFF;
	s2 =	simm.s32 @!p0 $0x1C05  }
0x89: {  	[timem:s3], [sflag:s2] =	dma.local @!p0 [hbm:s0], s1  }
0x8a: {  	s0 =	simm.s32 @!p0 $0x5  }
0x8b: {  	_ =	swait.ge @!p0 [sflag:s0], s1  }
0x8c: {  	s1 =	ssub.s32 @!p0 $0x0, s1;
	[sflag:s0] =	ssyncset.done @!p0 $0x0  }
0x8d: {  	[sflag:s0] =	ssyncadd.s32 @!p0 s1  }
0x8e: {  	[bflag:$0x3] =	sbarrier.arrive $0xFFFF  }
0x8f: {  	_ =	shalt  }

// kernel: kernel.9.cloned.1.call-start
scs
__scs_entry_jumppad:
0x0: {  	(pc) =	sbr.rel $0x88, $3  }
0x1: {  	(tag) =	ssettag $0x0;
	lr =	simm.s32 $0x1  }
0x2: {  	[smem:$0x3F9D] =	sst lr;
	_ =	strace $0xD0000000  }
0x3: {  	_ = 	snop  }
0x4: {  	_ = 	snop  }
0x5: {  	_ = 	snop  }
0x6: {  	_ = 	snop  }
0x7: {  	_ = 	snop  }
__scs_overlays_trampoline_lowered:
0x8: {  	[smem:$0x3FAC] =	sst s0  }
0x9: {  	[smem:$0x3FAD] =	sst s1  }
0xa: {  	[smem:$0x3FAE] =	sst s2  }
0xb: {  	[smem:$0x3FAF] =	sst s3  }
0xc: {  	[smem:$0x3FB0] =	sst s4  }
0xd: {  	[smem:$0x3FB1] =	sst s5  }
0xe: {  	[smem:$0x3FB2] =	sst s6  }
0xf: {  	[smem:$0x3FB3] =	sst s7  }
0x10: {  	[smem:$0x3FB4] =	sst s8  }
0x11: {  	[smem:$0x3FB5] =	sst s9;
	s0 =	simm.s32 @!p0 $0x0  }
0x12: {  	s1 =	sld [smem:$0x3F9B];
	s0 =	simm.s32 @p0 $0x1  }
0x13: {  	[smem:$0x3FB6] =	sst s0;
	s0 =	simm.s32 @!p1 $0x0  }
0x14: {  	s2 =	sld [smem:$0x3F9A];
	s0 =	simm.s32 @p1 $0x1  }
0x15: {  	[smem:$0x3FB7] =	sst s0;
	s0 =	simm.s32 @!p2 $0x0  }
0x16: {  	s3 =	sld [smem:$0x3FDB];
	s0 =	simm.s32 @p2 $0x1  }
0x17: {  	s4 =	simm.s32 $0x1BF5;
	[smem:$0x3FB9] =	sst s0  }
0x18: {  	s0 =	sld [smem:$0x3F9C];
	_ =	swait.ge [sflag:s4], $0x0  }
0x19: {  	s7 =	sld [smem:$0x3F9D]  }
0x1a: {  	s8 =	sadd.s32 $0xFFFFE003, lr  }
0x1b: {  	s9 =	sadd.s32 $0xFFFFFEF7, lr;
	s5 =	simm.s32 $0xFFFFFFFF;
	p2 =	slt.u32 s8, $0xFFFFF086  }
0x1c: {  	p1 =	slt.u32 s9, $0xF7A;
	s5 =	simm.s32 @!p2 $0x0  }
0x1d: {  	s5 =	simm.s32 @p1 $0x1;
	p0 =	seq.s32 s7, s2  }
0x1e: {  	s7 =	smul.u32 @!p0 $0xF7A, s2;
	p2 =	seq.s32 @!p0 s5, $0x0  }
0x1f: {  	s9 =	smul.u32 $0xF7A, s1;
	s8 =	simm.s32 @!p0 $0x1BF5;
	p2 =	por !p2, p0  }
0x20: {  	[sflag:s8] =	ssyncset.s32 @!p0 $0xFFFFF086;
	s6 =	sadd.s32 @!p0 s3, s7;
	s7 =	simm.s32 @!p0 $0x108  }
0x21: {  	s3 =	sadd.s32 s3, s9;
	s6 =	sadd.s32 @!p0 $0x88, s6;
	s7 =	simm.s32 @p2 $0x1082  }
0x22: {  	[simem:s7], [sflag:s8] =	dma.local @!p0 [hbm:s6], $0xF7A  }
0x23: {  	s9 =	sor.u32 $0xD0000000, s2;
	s6 =	simm.s32 $0x108;
	_ =	swait.ge @!p0 [sflag:s8], $0x0  }
0x24: {  	s3 =	sadd.s32 $0x88, s3;
	s6 =	simm.s32 @!p1 $0x1082;
	[sflag:s4] =	ssyncset.s32 $0xFFFFF086  }
0x25: {  	[simem:s6], [sflag:s4] =	dma.local [hbm:s3], $0xF7A  }
0x26: {  	[smem:$0x3F9D] =	sst s1;
	(tag) =	ssettag s2;
	_ =	strace s9  }
0x27: {  	s1 =	sld [smem:$0x3FAD]  }
0x28: {  	s2 =	sld [smem:$0x3FAE]  }
0x29: {  	s4 =	sld [smem:$0x3FB0]  }
0x2a: {  	p0 =	seq.s32 s5, $0x0;
	s5 =	sld [smem:$0x3FB1]  }
0x2b: {  	s6 =	sld [smem:$0x3FB2]  }
0x2c: {  	s7 =	sld [smem:$0x3FB3]  }
0x2d: {  	s3 =	simm.s32 $0x108;
	s8 =	sld [smem:$0x3FB4]  }
0x2e: {  	s3 =	simm.s32 @!p0 $0x1082;
	s9 =	sld [smem:$0x3FB5]  }
0x2f: {  	lr =	sadd.s32 s0, s3;
	s0 =	sld [smem:$0x3FAC]  }
0x30: {  	s3 =	sld [smem:$0x3FAF]  }
0x31: {  	[smem:$0x3FB8] =	sst s10  }
0x32: {  	s10 =	sld [smem:$0x3FB6];
	_ =	sdelay $0x3  }
0x33: {  	p0 =	seq.s32 s10, $0x1;
	s10 =	sld [smem:$0x3FB8];
	_ =	sdelay $0x3  }
0x34: {  	[smem:$0x3FB8] =	sst s10  }
0x35: {  	s10 =	sld [smem:$0x3FB7];
	_ =	sdelay $0x3  }
0x36: {  	p1 =	seq.s32 s10, $0x1;
	s10 =	sld [smem:$0x3FB8];
	_ =	sdelay $0x3  }
0x37: {  	[smem:$0x3FB8] =	sst s10  }
0x38: {  	s10 =	sld [smem:$0x3FB9]  }
0x39: {  	_ = 	snop;
	(pc) =	sbr.ind lr, $3  }
0x3a: {  	_ = 	snop  }
0x3b: {  	_ = 	snop  }
0x3c: {  	p2 =	seq.s32 s10, $0x1;
	s10 =	sld [smem:$0x3FB8]  }
0x3d: {  	_ =	shalt  }
0x3e: {  	_ =	shalt  }
0x3f: {  	_ =	shalt  }
0x40: {  	_ =	shalt  }
0x41: {  	_ =	shalt  }
0x42: {  	_ =	shalt  }
0x43: {  	_ =	shalt  }
0x44: {  	_ =	shalt  }
0x45: {  	_ =	shalt  }
0x46: {  	_ =	shalt  }
0x47: {  	_ =	shalt  }
0x48: {  	_ =	shalt  }
0x49: {  	_ =	shalt  }
0x4a: {  	_ =	shalt  }
0x4b: {  	_ =	shalt  }
0x4c: {  	_ =	shalt  }
0x4d: {  	_ =	shalt  }
0x4e: {  	_ =	shalt  }
0x4f: {  	_ =	shalt  }
0x50: {  	_ =	shalt  }
0x51: {  	_ =	shalt  }
0x52: {  	_ =	shalt  }
0x53: {  	_ =	shalt  }
0x54: {  	_ =	shalt  }
0x55: {  	_ =	shalt  }
0x56: {  	_ =	shalt  }
0x57: {  	_ =	shalt  }
0x58: {  	_ =	shalt  }
0x59: {  	_ =	shalt  }
0x5a: {  	_ =	shalt  }
0x5b: {  	_ =	shalt  }
0x5c: {  	_ =	shalt  }
0x5d: {  	_ =	shalt  }
0x5e: {  	_ =	shalt  }
0x5f: {  	_ =	shalt  }
0x60: {  	_ =	shalt  }
0x61: {  	_ =	shalt  }
0x62: {  	_ =	shalt  }
0x63: {  	_ =	shalt  }
0x64: {  	_ =	shalt  }
0x65: {  	_ =	shalt  }
0x66: {  	_ =	shalt  }
0x67: {  	_ =	shalt  }
0x68: {  	_ =	shalt  }
0x69: {  	_ =	shalt  }
0x6a: {  	_ =	shalt  }
0x6b: {  	_ =	shalt  }
0x6c: {  	_ =	shalt  }
0x6d: {  	_ =	shalt  }
0x6e: {  	_ =	shalt  }
0x6f: {  	_ =	shalt  }
0x70: {  	_ =	shalt  }
0x71: {  	_ =	shalt  }
0x72: {  	_ =	shalt  }
0x73: {  	_ =	shalt  }
0x74: {  	_ =	shalt  }
0x75: {  	_ =	shalt  }
0x76: {  	_ =	shalt  }
0x77: {  	_ =	shalt  }
0x78: {  	_ =	shalt  }
0x79: {  	_ =	shalt  }
0x7a: {  	_ =	shalt  }
0x7b: {  	_ =	shalt  }
0x7c: {  	_ =	shalt  }
0x7d: {  	_ =	shalt  }
0x7e: {  	_ =	shalt  }
0x7f: {  	_ =	shalt  }
0x80: {  	_ =	shalt  }
0x81: {  	_ =	shalt  }
0x82: {  	_ =	shalt  }
0x83: {  	_ =	shalt  }
0x84: {  	_ =	shalt  }
0x85: {  	_ =	shalt  }
0x86: {  	_ =	shalt  }
0x87: {  	_ =	shalt  }
.Lfunc_end0:
.L_simem_size_0:
called_computation.1_lowered:
.L_overlay_start_0:
0x88: {  	s2 =	sld [smem:$0x3FD9]  }
0x89: {  	s3 =	sld [smem:$0x3FFE];
	_ =	sdelay $0x1  }
0x8a: {  	s1 =	srdreg.scid  }
0x8b: {  	s0 =	sand.u32 $0x1, s1  }
0x8c: {  	s17 =	sshll.u32 s0, $0xA;
	s2 =	sadd.s32 s3, s2  }
0x8d: {  	s2 =	sadd.s32 s2, s17  }
0x8e: {  	[smem:$0x3FC4] =	sst s2  }
0x8f: {  	_ = 	snop  }
0x90: {  	s2 =	sld [smem:$0x3FD0];
	(tm) =	ssettm $0x1  }
0x91: {  	s18 =	sld [smem:$0x3FFB];
	_ =	sdelay $0x3  }
0x92: {  	_ =	strace s18  }
0x93: {  	s3 =	sld [smem:$0x3FFC];
	_ =	sdelay $0x3  }
0x94: {  	_ =	strace s3  }
0x95: {  	s3 =	sld [smem:$0x3FFD];
	_ =	sdelay $0x3  }
0x96: {  	_ =	strace s3  }
0x97: {  	_ =	strace $0x8FFFFFFF  }
0x98: {  	s19 =	sld [smem:$0x3FDB];
	_ =	sdelay $0x1  }
0x99: {  	s4 =	simm.s32 $_scs_section_size  }
0x9a: {  	s5 =	simm.s32 $_size__tile_overlayer_lowered;
	s6 =	simm.s32 $_tile_overlayer_lowered  }
0x9b: {  	s22 =	simm.s32 $0x1BFF;
	s21 =	sshll.u32 s6, $0x1;
	s3 =	sadd.s32 s4, s19  }
0x9c: {  	s7 =	simm.s32 $0x0;
	s20 =	sshll.u32 s5, $0x1;
	s5 =	sadd.s32 s21, s3  }
0x9d: {  	[timem:s7], [sflag:s22] =	dma.local [hbm:s5], s20  }
0x9e: {  	_ =	swait.ge [sflag:s22], s20  }
0x9f: {  	s4 =	ssub.s32 $0x0, s20;
	[sflag:s22] =	ssyncset.done $0x0  }
0xa0: {  	[sflag:s22] =	ssyncadd.s32 s4;
	_ =	sdelay $0x1  }
0xa1: {  	s23 =	simm.s32 $0x1B8B  }
0xa2: {  	_ =	swait.ge [sflag:s23], $0x1  }
0xa3: {  	[sflag:s23] =	ssyncset.done $0x0  }
0xa4: {  	s25 =	simm.s32 $0x1B8E;
	s24 =	sld [smem:$0x3FFE];
	[sflag:s23] =	ssyncadd.s32 $0xFFFFFFFF  }
0xa5: {  	s26 =	simm.s32 $execute0_lowered;
	[smem:$0x3FD2] =	sst s25  }
0xa6: {  	s5 =	sshll.u32 s26, $0x1;
	_ =	strace $0x80000049;
	[dreg:$0x1] =	wrdreg $0xFFFFFFFF  }
0xa7: {  	s28 =	simm.s32 $_size_execute0_lowered;
	s3 =	sadd.s32 s3, s5;
	[dreg:$0x0] =	wrdreg $0x0  }
0xa8: {  	s5 =	sshll.u32 s28, $0x1;
	[dreg:$0x2] =	wrdreg s3  }
0xa9: {  	[dreg:$0x3] =	wrdreg s5  }
0xaa: {  	[dreg:$0x4] =	wrdreg $0xC0  }
0xab: {  	_ =	task [dreg:s7], $0x5FFFF  }
0xac: {  	[dreg:$0x1] =	wrdreg $0xFFFFFFFF  }
0xad: {  	[dreg:$0x0] =	wrdreg $0x60  }
0xae: {  	[dreg:$0x2] =	wrdreg s2  }
0xaf: {  	[dreg:$0x3] =	wrdreg s24  }
0xb0: {  	[dreg:$0x4] =	wrdreg $0x0  }
0xb1: {  	[dreg:$0x5] =	wrdreg $0x9  }
0xb2: {  	_ =	task.clear_ibuf [dreg:s7], $0x6FFFF;
	_ =	strace $0x90000049  }
0xb3: {  	s29 =	simm.s32 $0x9;
	_ =	strace $0x8000004B  }
0xb4: {  	_ =	swait.ge [sflag:s29], $0x1  }
0xb5: {  	[sflag:s29] =	ssyncadd.s32 $0xFFFFFFFF  }
0xb6: {  	_ =	strace $0x9000004B  }
0xb7: {  	_ =	sfence  }
0xb8: {  	s30 =	sld [smem:$0x0];
	_ =	sdelay $0x2  }
0xb9: {  	s31 =	sshll.u32 s1, $0xD;
	s1 =	sshrl.u32 s1, $0x2  }
0xba: {  	s3 =	sand.u32 $0x4000, s31;
	s1 =	sadd.s32 s1, s30  }
0xbb: {  	s0 =	sor.u32 s3, s0;
	s1 =	sshll.u32 s1, $0x11  }
0xbc: {  	s0 =	sor.u32 s1, s0  }
0xbd: {  	s0 =	sadd.s32 $0x8F2B, s0  }
0xbe: {  	[sflag:s0] =	ssyncadd.remote.s32 $0x1  }
0xbf: {  	_ =	sfence.sel $0xFFFF  }
0xc0: {  	[dreg:$0x0] =	wrdreg $0xFFFFFFFF;
	(pc) =	sbr.abs _section_cstart, $3  }
0xc1: {  	[dreg:$0x1] =	wrdreg $0xFFFFFFFF  }
0xc2: {  	_ =	task.clear_ibuf [dreg:s7], $0x2FFFF;
	_ =	strace $0x9FFFFFFF  }
0xc3: {  	(tm) =	ssettm $0x7FFFFFFF  }
tec
execute0_lowered:
.L_overlay_start_1:
0x0: {  	(tag) =	ssettag $0x1  }
0x1: {  	s1 =	rddreg [dreg:$0x0]  }
0x2: {  	s0 =	rddreg [dreg:$0x1]  }
0x3: {  	s2 =	rddreg [dreg:$0x2];
	s3 =	srdreg.scid;
	s4 =	simm.s32 $0x0  }
0x4: {  	s9 =	stileid.u32;
	s15 =	simm.s32 $0x13F00;
	s16 =	simm.s32 $0xD  }
0x5: {  	s17 =	simm.s32 $0xA;
	s18 =	simm.s32 $0xB;
	s6 =	smul.u32 $0x13C00, s9  }
0x6: {  	s19 =	simm.s32 $0xC;
	s3 =	sand.u32 $0x1, s3;
	s8 =	smul.u32 $0x4F000, s9  }
0x7: {  	[smem:$0x7FF] =	sst s4;
	s7 =	sshll.u32 s9, $0x5;
	s5 =	smul.u32 $0x13C000, s3  }
0x8: {  	s14 =	sshll.u32 s9, $0x1;
	_ =	strace $0x8000004A;
	s12 =	sadd.s32 s7, s0  }
0x9: {  	s23 =	ssub.s32 $0x2, s3;
	s13 =	sshll.u32 s3, $0x4;
	s5 =	sadd.s32 s6, s5  }
0xa: {  	s31 =	sor.u32 s3, s14;
	s8 =	sshrl.u32 s8, $0x2;
	s5 =	sshrl.u32 s5, $0x3  }
0xb: {  	s24 =	sshrl.u32 s23, $0x1;
	s0 =	sadd.s32 s5, s0;
	s5 =	sadd.s32 s8, s2  }
0xc: {  	s30 =	sadd.s32 s13, s12;
	s14 =	sor.u32 $0x40, s31;
	s25 =	sadd.s32 $0x4000, s5  }
0xd: {  	s11 =	ssub.s32 s23, s24;
	s26 =	sadd.s32 $0x8000, s5;
	[dreg:$0x4] =	wrdreg s25  }
0xe: {  	s12 =	sadd.s32 $0xBA00, s30;
	s28 =	sadd.s32 $0xC000, s5;
	[dreg:$0x5] =	wrdreg s26  }
0xf: {  	s13 =	sadd.s32 $0x1C00, s30;
	s29 =	sadd.s32 $0x10000, s5;
	[dreg:$0x6] =	wrdreg s28  }
0x10: {  	v0 =	vimm.f32 $0.0e+00;
	s11 =	smax.u32 s11, $0x1;
	s10 =	sadd.s32 $0x15800, s0;
	[dreg:$0x7] =	wrdreg s29  }
.LBB2_1:
0x11: {  	s0 =	simm.s32 $0x0;
	s3 =	simm.s32 $0x200  }
.LBB2_2:
0x12: {  	p0 =	sne.s32 s3, $0xFE00;
	[tilespmem:s0+$0x13F70] =	vst v0  }
0x13: {  	[tilespmem:s0+$0x13F00] =	vst v0  }
0x14: {  	[tilespmem:s0+$0x13F10] =	vst v0  }
.Ltmp0:
0x15: {  	[tilespmem:s0+$0x13F20] =	vst v0;
	(pc) =	sbr.rel @p0 .LBB2_2-.Ltmp0, $4  }
0x16: {  	[tilespmem:s0+$0x13F30] =	vst v0  }
0x17: {  	[tilespmem:s0+$0x13F40] =	vst v0  }
0x18: {  	[tilespmem:s0+$0x13F50] =	vst v0  }
0x19: {  	[tilespmem:s0+$0x13F60] =	vst v0;
	s0 =	sshra.s32 s3, $0x2;
	s3 =	sadd.s32 $0x200, s3  }
0x1a: {  	[tilespmem:s0+$0x13F70] =	vst v0  }
0x1b: {  	[tilespmem:s0+$0x13F00] =	vst v0  }
0x1c: {  	[tilespmem:s0+$0x13F10] =	vst v0  }
0x1d: {  	[tilespmem:s0+$0x13F20] =	vst v0  }
0x1e: {  	[tilespmem:s0+$0x13F30] =	vst v0  }
0x1f: {  	[tilespmem:s0+$0x13F40] =	vst v0  }
0x20: {  	[tilespmem:s0+$0x13F50] =	vst v0  }
0x21: {  	[tilespmem:s0+$0x13F60] =	vst v0  }
0x22: {  	[spmem:s5] =	stream.linear.scatter [tilespmem:s15], [sflag:$0xD], $0x4000, $0x38;
	[tilespmem:$0x1FF00] =	vst v63  }
0x23: {  	_ =	swait.ge [sflag:s16], $0x4000  }
0x24: {  	[sflag:s16] =	ssyncset.done $0x0  }
0x25: {  	s20 =	rddreg [dreg:$0x4];
	[sflag:s16] =	ssyncadd.s32 $0xFFFFC000  }
0x26: {  	[spmem:s20] =	stream.linear.scatter [tilespmem:s15], [sflag:$0xD], $0x4000, $0x38;
	[tilespmem:$0x1FF00] =	vst v63  }
0x27: {  	_ =	swait.ge [sflag:s16], $0x4000  }
0x28: {  	[sflag:s16] =	ssyncset.done $0x0  }
0x29: {  	s21 =	rddreg [dreg:$0x5];
	[sflag:s16] =	ssyncadd.s32 $0xFFFFC000  }
0x2a: {  	[spmem:s21] =	stream.linear.scatter [tilespmem:s15], [sflag:$0xD], $0x4000, $0x38;
	[tilespmem:$0x1FF00] =	vst v63  }
0x2b: {  	_ =	swait.ge [sflag:s16], $0x4000  }
0x2c: {  	[sflag:s16] =	ssyncset.done $0x0  }
0x2d: {  	s22 =	rddreg [dreg:$0x6];
	[sflag:s16] =	ssyncadd.s32 $0xFFFFC000  }
0x2e: {  	[spmem:s22] =	stream.linear.scatter [tilespmem:s15], [sflag:$0xD], $0x4000, $0x38;
	[tilespmem:$0x1FF00] =	vst v63  }
0x2f: {  	_ =	swait.ge [sflag:s16], $0x4000  }
0x30: {  	s24 =	sadd.s32 $0xFFFFFFC0, s14;
	[sflag:s16] =	ssyncset.done $0x0  }
0x31: {  	p0 =	sgt.u32 s24, $0x9C3;
	s23 =	rddreg [dreg:$0x7];
	[sflag:s16] =	ssyncadd.s32 $0xFFFFC000  }
0x32: {  	[spmem:s23] =	stream.linear.scatter [tilespmem:s15], [sflag:$0xD], $0x3C00, $0x38;
	[tilespmem:$0x1FF00] =	vst v63  }
0x33: {  	p1 =	por @!p0 $0x1, $0x1;
	p0 =	por p0, p0;
	_ =	swait.ge [sflag:s16], $0x3C00  }
0x34: {  	s25 =	sadd.s32 $0xFFFFFFE0, s14;
	s3 =	simm.s32 @!p0 $0x0;
	[sflag:s16] =	ssyncset.done $0x0  }
0x35: {  	p3 =	por p1, p0;
	s24 =	simm.s32 @!p0 $0x13C00;
	[sflag:s16] =	ssyncadd.s32 $0xFFFFC400  }
0x36: {  	p1 =	sgt.u32 s25, $0x9C3;
	s21 =	simm.s32 @!p3 $0xA;
	[bflag:$0x0] =	sbarrier.arrive $0xFFFF  }
0x37: {  	s0 =	simm.s32 @!p0 $0x13D80;
	p2 =	por @!p1 $0x1, $0x1;
	_ =	swait.ge @!p3 [sflag:s21], $0x4000  }
0x38: {  	s25 =	simm.s32 @!p1 $0x13C80;
	p2 =	por p2, p1;
	[sflag:s21] =	ssyncset.done @!p3 $0x0  }
0x39: {  	s22 =	sadd.s32 @!p0 $0x0, s13;
	[sflag:s21] =	ssyncadd.s32 @!p3 $0xFFFFC000;
	p3 =	sgt.u32 s14, $0x9C3  }
0x3a: {  	[tilespmem:s24], [sflag:$0x1] =	stream.linear.gather @!p0 [hbm4b:s22+s3], $0x80, $0x38;
	[tilespmem:$0x1FF00] =	vst v63  }
0x3b: {  	s20 =	sadd.s32 @!p0 $0x0, s12;
	s22 =	simm.s32 @!p2 $0xB;
	p4 =	por @!p3 $0x1, $0x1  }
0x3c: {  	[tilespmem:s0], [sflag:$0x4] =	stream.linear.gather @!p0 [hbm4b:s20+s3], $0x80, $0x38;
	[tilespmem:$0x1FF00] =	vst v63  }
0x3d: {  	s21 =	sadd.s32 @!p1 $0x0, s13;
	p4 =	por p4, p3;
	_ =	swait.ge @!p2 [sflag:s22], $0x4000  }
0x3e: {  	s3 =	sadd.s32 @!p1 $0x200, s21;
	s20 =	sadd.s32 @!p1 $0x0, s12;
	[sflag:s22] =	ssyncset.done @!p2 $0x0  }
0x3f: {  	s21 =	simm.s32 @!p1 $0x0;
	[sflag:s22] =	ssyncadd.s32 @!p2 $0xFFFFC000;
	s22 =	simm.s32 @!p1 $0x13E00  }
0x40: {  	[tilespmem:s25], [sflag:$0x2] =	stream.linear.gather @!p1 [hbm4b:s3+s21], $0x80, $0x38;
	[tilespmem:$0x1FF00] =	vst v63  }
0x41: {  	p2 =	por p3, p3;
	s3 =	sadd.s32 @!p1 $0x200, s20;
	s20 =	simm.s32 @!p4 $0xC  }
0x42: {  	[tilespmem:s22], [sflag:$0x5] =	stream.linear.gather @!p1 [hbm4b:s3+s21], $0x80, $0x38;
	[tilespmem:$0x1FF00] =	vst v63  }
0x43: {  	s26 =	simm.s32 @!p2 $0x0;
	_ =	swait.ge @!p4 [sflag:s20], $0x4000  }
0x44: {  	s31 =	simm.s32 @!p2 $0x13D00;
	s3 =	sadd.s32 @!p3 $0x0, s13;
	[sflag:s20] =	ssyncset.done @!p4 $0x0  }
0x45: {  	s21 =	sadd.s32 @!p3 $0x0, s12;
	s3 =	sadd.s32 @!p3 $0x400, s3;
	[sflag:s20] =	ssyncadd.s32 @!p4 $0xFFFFC000  }
0x46: {  	[tilespmem:s31], [sflag:$0x3] =	stream.linear.gather @!p2 [hbm4b:s3+s26], $0x80, $0x38;
	[tilespmem:$0x1FF00] =	vst v63  }
0x47: {  	s23 =	simm.s32 @!p2 $0x13E80;
	s20 =	simm.s32 @!p0 $0x1;
	s3 =	sadd.s32 @!p3 $0x400, s21  }
0x48: {  	[tilespmem:s23], [sflag:$0x6] =	stream.linear.gather @!p2 [hbm4b:s3+s26], $0x80, $0x38;
	[tilespmem:$0x1FF00] =	vst v63  }
0x49: {  	_ =	swait.ge @!p0 [sflag:s20], $0x80  }
0x4a: {  	s21 =	simm.s32 @!p0 $0x13F00;
	[sflag:s20] =	ssyncset.done @!p0 $0x0  }
0x4b: {  	s3 =	simm.s32 @!p0 $0x80;
	[sflag:s20] =	ssyncadd.s32 @!p0 $0xFFFFFF80;
	s20 =	simm.s32 @!p1 $0x2  }
0x4c: {  	[tilespmem:s21], [sflag:$0x7] =	stream.indirect.gather @!p0 [hbm4b:s1+s3], $0x80, s24, s3, $0xb8;
	[tilespmem:$0x1FF00] =	vst v63  }
0x4d: {  	_ =	swait.ge @!p1 [sflag:s20], $0x80  }
0x4e: {  	s29 =	simm.s32 @!p1 $0x80;
	[sflag:s20] =	ssyncset.done @!p1 $0x0  }
0x4f: {  	s30 =	simm.s32 @!p1 $0x17F00;
	[sflag:s20] =	ssyncadd.s32 @!p1 $0xFFFFFF80;
	s20 =	simm.s32 @!p2 $0x3  }
0x50: {  	[tilespmem:s30], [sflag:$0x8] =	stream.indirect.gather @!p1 [hbm4b:s1+s29], $0x80, s25, s29, $0xb8;
	[tilespmem:$0x1FF00] =	vst v63  }
0x51: {  	_ =	swait.ge @!p2 [sflag:s20], $0x80  }
0x52: {  	s28 =	simm.s32 @!p2 $0x80;
	[sflag:s20] =	ssyncset.done @!p2 $0x0  }
0x53: {  	s25 =	simm.s32 @!p2 $0x1BF00;
	[sflag:s20] =	ssyncadd.s32 @!p2 $0xFFFFFF80;
	s20 =	simm.s32 @!p0 $0x7  }
0x54: {  	[tilespmem:s25], [sflag:$0x9] =	stream.indirect.gather @!p2 [hbm4b:s1+s28], $0x80, s31, s28, $0xb8;
	[tilespmem:$0x1FF00] =	vst v63  }
0x55: {  	_ =	swait.ge @!p0 [sflag:s20], $0x4000  }
0x56: {  	[sflag:s20] =	ssyncset.done @!p0 $0x0  }
0x57: {  	s24 =	simm.s32 @!p0 $0x4;
	[sflag:s20] =	ssyncadd.s32 @!p0 $0xFFFFC000  }
0x58: {  	_ =	swait.ge @!p0 [sflag:s24], $0x80  }
0x59: {  	s31 =	simm.s32 @!p1 $0x8;
	s20 =	sadd.s32 $0x60, s14;
	[sflag:s24] =	ssyncset.done @!p0 $0x0  }
0x5a: {  	s26 =	sadd.s32 $0xFFFFFFC0, s20;
	[sflag:s24] =	ssyncadd.s32 @!p0 $0xFFFFFF80;
	s24 =	simm.s32 $0xC00  }
0x5b: {  	[spmem:s2] =	stream.indirect.scatter.add.f32 @!p0 [tilespmem:s21], [sflag:$0xA], $0x80, s0, s3, $0xb8;
	[tilespmem:$0x1FF00] =	vst v63  }
0x5c: {  	s21 =	simm.s32 $0x600;
	p0 =	sgt.u32 s26, $0x9C3;
	s3 =	simm.s32 @!p1 $0x5  }
0x5d: {  	p4 =	por @!p0 $0x0, $0x0;
	_ =	swait.ge @!p1 [sflag:s31], $0x4000;
	p0 =	por p0, p0  }
.LBB2_4:
0x5e: {  	[sflag:s31] =	ssyncset.done @!p1 $0x0;
	s0 =	smov.u32 s24;
	s24 =	sadd.s32 $0x600, s24  }
0x5f: {  	p3 =	sne.s32 s24, $0xA200;
	[sflag:s31] =	ssyncadd.s32 @!p1 $0xFFFFC000  }
0x60: {  	s6 =	simm.s32 @!p0 $0x0;
	s7 =	sadd.s32 @!p0 s21, s12;
	_ =	swait.ge @!p1 [sflag:s3], $0x80  }
0x61: {  	[sflag:s3] =	ssyncset.done @!p1 $0x0  }
0x62: {  	[sflag:s3] =	ssyncadd.s32 @!p1 $0xFFFFFF80;
	s3 =	simm.s32 @!p2 $0x9  }
0x63: {  	[spmem:s2] =	stream.indirect.scatter.add.f32 @!p1 [tilespmem:s30], [sflag:$0xB], $0x80, s22, s29, $0xb8;
	[tilespmem:$0x1FF00] =	vst v63  }
0x64: {  	_ =	swait.ge @!p2 [sflag:s3], $0x4000  }
0x65: {  	p5 =	por p4, p0;
	s22 =	simm.s32 @!p2 $0x6;
	[sflag:s3] =	ssyncset.done @!p2 $0x0  }
0x66: {  	[sflag:s3] =	ssyncadd.s32 @!p2 $0xFFFFC000  }
0x67: {  	s29 =	sadd.s32 $0xFFFFFFE0, s20;
	s3 =	simm.s32 @!p5 $0xA;
	_ =	swait.ge @!p2 [sflag:s22], $0x80  }
0x68: {  	s26 =	simm.s32 @!p0 $0x13D80;
	s31 =	simm.s32 @!p0 $0x13C00;
	[sflag:s22] =	ssyncset.done @!p2 $0x0  }
0x69: {  	p4 =	sgt.u32 s20, $0x9C3;
	p1 =	sgt.u32 s29, $0x9C3;
	[sflag:s22] =	ssyncadd.s32 @!p2 $0xFFFFFF80  }
0x6a: {  	[spmem:s2] =	stream.indirect.scatter.add.f32 @!p2 [tilespmem:s25], [sflag:$0xC], $0x80, s23, s28, $0xb8;
	[tilespmem:$0x1FF00] =	vst v63  }
0x6b: {  	s22 =	sadd.s32 @!p0 s21, s13;
	p2 =	seq.s32 @!p1 s21, $0x0;
	s23 =	sadd.s32 @!p1 s21, s13  }
0x6c: {  	p2 =	por p2, p1;
	s23 =	sadd.s32 @!p1 $0x200, s23;
	_ =	swait.ge @!p5 [sflag:s3], $0x4000  }
0x6d: {  	s28 =	sadd.s32 @!p1 s21, s12;
	s25 =	simm.s32 @!p2 $0xB;
	[sflag:s3] =	ssyncset.done @!p5 $0x0  }
0x6e: {  	[sflag:s3] =	ssyncadd.s32 @!p5 $0xFFFFC000;
	s3 =	sadd.s32 @!p1 $0x200, s28;
	p5 =	seq.s32 @!p4 s21, $0x0  }
0x6f: {  	[tilespmem:s31], [sflag:$0x1] =	stream.linear.gather @!p0 [hbm4b:s22+s6], $0x80, $0x38;
	[tilespmem:$0x1FF00] =	vst v63  }
0x70: {  	s28 =	sadd.s32 @!p4 s21, s13;
	s21 =	sadd.s32 @!p4 s21, s12;
	p5 =	por p5, p4  }
0x71: {  	[tilespmem:s26], [sflag:$0x4] =	stream.linear.gather @!p0 [hbm4b:s7+s6], $0x80, $0x38;
	[tilespmem:$0x1FF00] =	vst v63  }
0x72: {  	s22 =	simm.s32 @!p1 $0x13E00;
	s6 =	simm.s32 @!p5 $0xC;
	_ =	swait.ge @!p2 [sflag:s25], $0x4000  }
0x73: {  	s8 =	simm.s32 @!p1 $0x13C80;
	s7 =	simm.s32 @!p1 $0x0;
	[sflag:s25] =	ssyncset.done @!p2 $0x0  }
0x74: {  	[sflag:s25] =	ssyncadd.s32 @!p2 $0xFFFFC000;
	s25 =	sadd.s32 @!p4 $0x400, s28;
	s28 =	sadd.s32 @!p4 $0x400, s21  }
0x75: {  	[tilespmem:s8], [sflag:$0x2] =	stream.linear.gather @!p1 [hbm4b:s23+s7], $0x80, $0x38;
	[tilespmem:$0x1FF00] =	vst v63  }
0x76: {  	s21 =	smov.u32 s0;
	p2 =	por p4, p4  }
0x77: {  	[tilespmem:s22], [sflag:$0x5] =	stream.linear.gather @!p1 [hbm4b:s3+s7], $0x80, $0x38;
	[tilespmem:$0x1FF00] =	vst v63  }
0x78: {  	s0 =	simm.s32 @!p0 $0x1;
	_ =	swait.ge @!p5 [sflag:s6], $0x4000  }
0x79: {  	s3 =	simm.s32 @!p2 $0x0;
	s7 =	simm.s32 @!p2 $0x13D00;
	[sflag:s6] =	ssyncset.done @!p5 $0x0  }
0x7a: {  	s23 =	simm.s32 @!p2 $0x13E80;
	[sflag:s6] =	ssyncadd.s32 @!p5 $0xFFFFC000  }
0x7b: {  	[tilespmem:s7], [sflag:$0x3] =	stream.linear.gather @!p2 [hbm4b:s25+s3], $0x80, $0x38;
	[tilespmem:$0x1FF00] =	vst v63  }
0x7c: {  	_ = 	snop  }
0x7d: {  	[tilespmem:s23], [sflag:$0x6] =	stream.linear.gather @!p2 [hbm4b:s28+s3], $0x80, $0x38;
	[tilespmem:$0x1FF00] =	vst v63  }
0x7e: {  	s9 =	simm.s32 @!p0 $0x13F00;
	s6 =	simm.s32 @!p0 $0x80;
	_ =	swait.ge @!p0 [sflag:s0], $0x80  }
0x7f: {  	s29 =	simm.s32 @!p1 $0x80;
	s30 =	simm.s32 @!p1 $0x17F00;
	[sflag:s0] =	ssyncset.done @!p0 $0x0  }
0x80: {  	[sflag:s0] =	ssyncadd.s32 @!p0 $0xFFFFFF80;
	s0 =	simm.s32 @!p1 $0x2  }
0x81: {  	[tilespmem:s9], [sflag:$0x7] =	stream.indirect.gather @!p0 [hbm4b:s1+s6], $0x80, s31, s6, $0xb8;
	[tilespmem:$0x1FF00] =	vst v63  }
0x82: {  	_ =	swait.ge @!p1 [sflag:s0], $0x80  }
0x83: {  	[sflag:s0] =	ssyncset.done @!p1 $0x0  }
0x84: {  	[sflag:s0] =	ssyncadd.s32 @!p1 $0xFFFFFF80;
	s0 =	simm.s32 @!p2 $0x3  }
0x85: {  	[tilespmem:s30], [sflag:$0x8] =	stream.indirect.gather @!p1 [hbm4b:s1+s29], $0x80, s8, s29, $0xb8;
	[tilespmem:$0x1FF00] =	vst v63  }
0x86: {  	s25 =	simm.s32 @!p2 $0x1BF00;
	s31 =	simm.s32 @!p1 $0x8;
	_ =	swait.ge @!p2 [sflag:s0], $0x80  }
0x87: {  	s28 =	simm.s32 @!p2 $0x80;
	s3 =	simm.s32 @!p0 $0x7;
	[sflag:s0] =	ssyncset.done @!p2 $0x0  }
0x88: {  	[sflag:s0] =	ssyncadd.s32 @!p2 $0xFFFFFF80  }
0x89: {  	[tilespmem:s25], [sflag:$0x9] =	stream.indirect.gather @!p2 [hbm4b:s1+s28], $0x80, s7, s28, $0xb8;
	[tilespmem:$0x1FF00] =	vst v63  }
0x8a: {  	_ =	swait.ge @!p0 [sflag:s3], $0x4000  }
0x8b: {  	s0 =	simm.s32 @!p0 $0x4;
	[sflag:s3] =	ssyncset.done @!p0 $0x0  }
0x8c: {  	[sflag:s3] =	ssyncadd.s32 @!p0 $0xFFFFC000  }
.Ltmp1:
0x8d: {  	s20 =	sadd.s32 $0x60, s20;
	_ =	swait.ge @!p0 [sflag:s0], $0x80;
	(pc) =	sbr.rel @p3 .LBB2_4-.Ltmp1, $4  }
0x8e: {  	s7 =	sadd.s32 $0xFFFFFFC0, s20;
	s3 =	simm.s32 @!p1 $0x5;
	[sflag:s0] =	ssyncset.done @!p0 $0x0  }
0x8f: {  	p5 =	sgt.u32 s7, $0x9C3;
	[sflag:s0] =	ssyncadd.s32 @!p0 $0xFFFFFF80  }
0x90: {  	[spmem:s2] =	stream.indirect.scatter.add.f32 @!p0 [tilespmem:s9], [sflag:$0xA], $0x80, s26, s6, $0xb8;
	[tilespmem:$0x1FF00] =	vst v63  }
0x91: {  	p4 =	seq.s32 @!p5 s21, $0x0;
	p0 =	por p5, p5;
	_ =	swait.ge @!p1 [sflag:s31], $0x4000  }
0x92: {  	[sflag:s31] =	ssyncset.done @!p1 $0x0  }
0x93: {  	[sflag:s31] =	ssyncadd.s32 @!p1 $0xFFFFC000  }
0x94: {  	_ =	swait.ge @!p1 [sflag:s3], $0x80  }
0x95: {  	[sflag:s3] =	ssyncset.done @!p1 $0x0  }
0x96: {  	s0 =	simm.s32 @!p2 $0x9;
	[sflag:s3] =	ssyncadd.s32 @!p1 $0xFFFFFF80  }
0x97: {  	[spmem:s2] =	stream.indirect.scatter.add.f32 @!p1 [tilespmem:s30], [sflag:$0xB], $0x80, s22, s29, $0xb8;
	[tilespmem:$0x1FF00] =	vst v63  }
0x98: {  	_ =	swait.ge @!p2 [sflag:s0], $0x4000  }
0x99: {  	[sflag:s0] =	ssyncset.done @!p2 $0x0  }
0x9a: {  	s3 =	simm.s32 @!p2 $0x6;
	[sflag:s0] =	ssyncadd.s32 @!p2 $0xFFFFC000  }
0x9b: {  	s6 =	simm.s32 @!p0 $0x0;
	s7 =	sadd.s32 @!p0 s21, s12;
	_ =	swait.ge @!p2 [sflag:s3], $0x80  }
0x9c: {  	p3 =	por p4, p0;
	s9 =	sadd.s32 @!p0 s21, s13;
	[sflag:s3] =	ssyncset.done @!p2 $0x0  }
0x9d: {  	s8 =	simm.s32 @!p3 $0xA;
	s29 =	sadd.s32 $0xFFFFFFE0, s20;
	[sflag:s3] =	ssyncadd.s32 @!p2 $0xFFFFFF80  }
0x9e: {  	[spmem:s2] =	stream.indirect.scatter.add.f32 @!p2 [tilespmem:s25], [sflag:$0xC], $0x80, s23, s28, $0xb8;
	[tilespmem:$0x1FF00] =	vst v63  }
0x9f: {  	p1 =	sgt.u32 s29, $0x9C3;
	s0 =	simm.s32 @!p0 $0x13D80;
	_ =	swait.ge @!p3 [sflag:s8], $0x4000  }
0xa0: {  	s3 =	simm.s32 @!p0 $0x13C00;
	p2 =	seq.s32 @!p1 s21, $0x0;
	[sflag:s8] =	ssyncset.done @!p3 $0x0  }
0xa1: {  	p2 =	por p2, p1;
	[sflag:s8] =	ssyncadd.s32 @!p3 $0xFFFFC000;
	p3 =	sgt.u32 s20, $0x9C3  }
0xa2: {  	[tilespmem:s3], [sflag:$0x1] =	stream.linear.gather @!p0 [hbm4b:s9+s6], $0x80, $0x38;
	[tilespmem:$0x1FF00] =	vst v63  }
0xa3: {  	s8 =	sadd.s32 @!p1 s21, s13;
	s9 =	simm.s32 @!p2 $0xB;
	p4 =	seq.s32 @!p3 s21, $0x0  }
0xa4: {  	[tilespmem:s0], [sflag:$0x4] =	stream.linear.gather @!p0 [hbm4b:s7+s6], $0x80, $0x38;
	[tilespmem:$0x1FF00] =	vst v63  }
0xa5: {  	s20 =	simm.s32 @!p1 $0x13C80;
	p4 =	por p4, p3;
	_ =	swait.ge @!p2 [sflag:s9], $0x4000  }
0xa6: {  	s6 =	sadd.s32 @!p1 $0x200, s8;
	s7 =	sadd.s32 @!p1 s21, s12;
	[sflag:s9] =	ssyncset.done @!p2 $0x0  }
0xa7: {  	s8 =	simm.s32 @!p1 $0x0;
	[sflag:s9] =	ssyncadd.s32 @!p2 $0xFFFFC000;
	s9 =	simm.s32 @!p4 $0xC  }
0xa8: {  	[tilespmem:s20], [sflag:$0x2] =	stream.linear.gather @!p1 [hbm4b:s6+s8], $0x80, $0x38;
	[tilespmem:$0x1FF00] =	vst v63  }
0xa9: {  	p2 =	por p3, p3;
	s6 =	sadd.s32 @!p1 $0x200, s7;
	s7 =	simm.s32 @!p1 $0x13E00  }
0xaa: {  	[tilespmem:s7], [sflag:$0x5] =	stream.linear.gather @!p1 [hbm4b:s6+s8], $0x80, $0x38;
	[tilespmem:$0x1FF00] =	vst v63  }
0xab: {  	s22 =	simm.s32 @!p2 $0x13D00;
	_ =	swait.ge @!p4 [sflag:s9], $0x4000  }
0xac: {  	s6 =	sadd.s32 @!p3 s21, s13;
	s8 =	sadd.s32 @!p3 s21, s12;
	[sflag:s9] =	ssyncset.done @!p4 $0x0  }
0xad: {  	s21 =	simm.s32 @!p2 $0x0;
	s6 =	sadd.s32 @!p3 $0x400, s6;
	[sflag:s9] =	ssyncadd.s32 @!p4 $0xFFFFC000  }
0xae: {  	[tilespmem:s22], [sflag:$0x3] =	stream.linear.gather @!p2 [hbm4b:s6+s21], $0x80, $0x38;
	[tilespmem:$0x1FF00] =	vst v63  }
0xaf: {  	s9 =	simm.s32 @!p2 $0x13E80;
	s6 =	sadd.s32 @!p3 $0x400, s8;
	s8 =	simm.s32 @!p0 $0x1  }
0xb0: {  	[tilespmem:s9], [sflag:$0x6] =	stream.linear.gather @!p2 [hbm4b:s6+s21], $0x80, $0x38;
	[tilespmem:$0x1FF00] =	vst v63  }
0xb1: {  	_ =	swait.ge @!p0 [sflag:s8], $0x80  }
0xb2: {  	s6 =	simm.s32 @!p0 $0x80;
	[sflag:s8] =	ssyncset.done @!p0 $0x0  }
0xb3: {  	s21 =	simm.s32 @!p0 $0x13F00;
	[sflag:s8] =	ssyncadd.s32 @!p0 $0xFFFFFF80;
	s8 =	simm.s32 @!p1 $0x2  }
0xb4: {  	[tilespmem:s21], [sflag:$0x7] =	stream.indirect.gather @!p0 [hbm4b:s1+s6], $0x80, s3, s6, $0xb8;
	[tilespmem:$0x1FF00] =	vst v63  }
0xb5: {  	_ =	swait.ge @!p1 [sflag:s8], $0x80  }
0xb6: {  	s23 =	simm.s32 @!p1 $0x17F00;
	[sflag:s8] =	ssyncset.done @!p1 $0x0  }
0xb7: {  	s3 =	simm.s32 @!p1 $0x80;
	[sflag:s8] =	ssyncadd.s32 @!p1 $0xFFFFFF80;
	s8 =	simm.s32 @!p2 $0x3  }
0xb8: {  	[tilespmem:s23], [sflag:$0x8] =	stream.indirect.gather @!p1 [hbm4b:s1+s3], $0x80, s20, s3, $0xb8;
	[tilespmem:$0x1FF00] =	vst v63  }
0xb9: {  	_ =	swait.ge @!p2 [sflag:s8], $0x80  }
0xba: {  	s25 =	simm.s32 @!p0 $0x7;
	[sflag:s8] =	ssyncset.done @!p2 $0x0  }
0xbb: {  	s24 =	simm.s32 @!p2 $0x80;
	s20 =	simm.s32 @!p2 $0x1BF00;
	[sflag:s8] =	ssyncadd.s32 @!p2 $0xFFFFFF80  }
0xbc: {  	[tilespmem:s20], [sflag:$0x9] =	stream.indirect.gather @!p2 [hbm4b:s1+s24], $0x80, s22, s24, $0xb8;
	[tilespmem:$0x1FF00] =	vst v63  }
0xbd: {  	_ =	swait.ge @!p0 [sflag:s25], $0x4000  }
0xbe: {  	[sflag:s25] =	ssyncset.done @!p0 $0x0  }
0xbf: {  	s8 =	simm.s32 @!p0 $0x4;
	[sflag:s25] =	ssyncadd.s32 @!p0 $0xFFFFC000  }
0xc0: {  	_ =	swait.ge @!p0 [sflag:s8], $0x80  }
0xc1: {  	[sflag:s8] =	ssyncset.done @!p0 $0x0  }
0xc2: {  	s22 =	simm.s32 @!p1 $0x8;
	[sflag:s8] =	ssyncadd.s32 @!p0 $0xFFFFFF80  }
0xc3: {  	[spmem:s2] =	stream.indirect.scatter.add.f32 @!p0 [tilespmem:s21], [sflag:$0xA], $0x80, s0, s6, $0xb8;
	[tilespmem:$0x1FF00] =	vst v63  }
0xc4: {  	_ =	swait.ge @!p1 [sflag:s22], $0x4000  }
0xc5: {  	[sflag:s22] =	ssyncset.done @!p1 $0x0  }
0xc6: {  	s0 =	simm.s32 @!p1 $0x5;
	[sflag:s22] =	ssyncadd.s32 @!p1 $0xFFFFC000  }
0xc7: {  	_ =	swait.ge @!p1 [sflag:s0], $0x80  }
0xc8: {  	[sflag:s0] =	ssyncset.done @!p1 $0x0  }
0xc9: {  	[sflag:s0] =	ssyncadd.s32 @!p1 $0xFFFFFF80;
	s0 =	simm.s32 @!p2 $0x9  }
0xca: {  	[spmem:s2] =	stream.indirect.scatter.add.f32 @!p1 [tilespmem:s23], [sflag:$0xB], $0x80, s7, s3, $0xb8;
	[tilespmem:$0x1FF00] =	vst v63  }
0xcb: {  	_ =	swait.ge @!p2 [sflag:s0], $0x4000  }
0xcc: {  	[sflag:s0] =	ssyncset.done @!p2 $0x0  }
0xcd: {  	s3 =	simm.s32 @!p2 $0x6;
	[sflag:s0] =	ssyncadd.s32 @!p2 $0xFFFFC000  }
0xce: {  	_ =	swait.ge @!p2 [sflag:s3], $0x80  }
0xcf: {  	[sflag:s3] =	ssyncset.done @!p2 $0x0  }
0xd0: {  	[sflag:s3] =	ssyncadd.s32 @!p2 $0xFFFFFF80  }
0xd1: {  	[spmem:s2] =	stream.indirect.scatter.add.f32 @!p2 [tilespmem:s20], [sflag:$0xC], $0x80, s9, s24, $0xb8;
	[tilespmem:$0x1FF00] =	vst v63  }
0xd2: {  	_ =	swait.ge [sflag:s17], $0x4000  }
0xd3: {  	[sflag:s17] =	ssyncset.done $0x0  }
0xd4: {  	[sflag:s17] =	ssyncadd.s32 $0xFFFFC000  }
0xd5: {  	_ =	swait.ge [sflag:s18], $0x4000  }
0xd6: {  	[sflag:s18] =	ssyncset.done $0x0  }
0xd7: {  	[sflag:s18] =	ssyncadd.s32 $0xFFFFC000  }
0xd8: {  	s4 =	sadd.s32 $0x1, s4;
	_ =	swait.ge [sflag:s19], $0x4000  }
0xd9: {  	s31 =	sshrl.u32 s5, $0x3;
	s30 =	stileid.u32;
	[sflag:s19] =	ssyncset.done $0x0  }
0xda: {  	p0 =	sne.s32 s4, s11;
	s0 =	sshll.u32 s30, $0x6;
	[sflag:s19] =	ssyncadd.s32 $0xFFFFC000  }
.Ltmp2:
0xdb: {  	s0 =	sor.u32 $0x1C0D, s0;
	[bflag:$0x0] =	sbarrier.arrive $0xFFFF;
	(pc) =	sbr.rel @p0 .LBB2_1-.Ltmp2, $4  }
0xdc: {  	[hbm:s10], [sflag:s0] =	dma.local [spmem:s31], $0x2780  }
0xdd: {  	_ =	swait.ge [sflag:s16], $0x2780  }
0xde: {  	[sflag:s16] =	ssyncset.done $0x0  }
0xdf: {  	[sflag:s16] =	ssyncadd.s32 $0xFFFFD880  }
0xe0: {  	_ =	sfence.sel $0x180000  }
0xe1: {  	[bflag:$0x0] =	sbarrier.arrive $0xFFFF  }
0xe2: {  	_ =	strace $0x9000004A  }
0xe3: {  	s0 =	stileid.u32;
	[bflag:$0x2] =	sbarrier.arrive $0xFFFF  }
0xe4: {  	p0 =	sne.s32 s0, $0x0;
	s0 =	rddreg [dreg:$0x3]  }
0xe5: {  	s0 =	sadd.s32 @!p0 $0x100000, s0  }
0xe6: {  	[sflag:s0] =	ssyncadd.tile.s32 @!p0 $0x1;
	_ =	shalt  }
.Lfunc_end2:
_tile_overlayer_lowered:
.L_overlay_start_2:
0xe7: {  	(tag) =	ssettag $0x2  }
0xe8: {  	s0 =	rddreg [dreg:$0x0];
	s2 =	stileid.u32  }
0xe9: {  	s1 =	rddreg [dreg:$0x1];
	p0 =	sne.s32 s2, $0x0  }
0xea: {  	s3 =	rddreg [dreg:$0x2];
	[bflag:$0x3] =	sbarrier.arrive $0xFFFF;
	s2 =	simm.s32 @!p0 $0x1C0D  }
0xeb: {  	[timem:s3], [sflag:s2] =	dma.local @!p0 [hbm:s0], s1  }
0xec: {  	s0 =	simm.s32 @!p0 $0xD  }
0xed: {  	_ =	swait.ge @!p0 [sflag:s0], s1  }
0xee: {  	s1 =	ssub.s32 @!p0 $0x0, s1;
	[sflag:s0] =	ssyncset.done @!p0 $0x0  }
0xef: {  	[sflag:s0] =	ssyncadd.s32 @!p0 s1  }
0xf0: {  	[bflag:$0x3] =	sbarrier.arrive $0xFFFF  }
0xf1: {  	_ =	shalt  }

</sc_bundles>
